<compile_context>
chip_gen: v7x
topology: tpu7x:2x2x1
jax: 0.10.2.dev20260603
libtpu: 0.0.44.dev20260713+nightly
codegen_flags: <defaults>
</compile_context>

<pallas_src>
import functools

import jax
import jax.numpy as jnp
from jax import lax
from jax.experimental import pallas as pl
from jax.experimental.pallas import tpu as pltpu
from jax.experimental.pallas import tpu_sc as plsc

_N_CODES = 100000
_D = 128
_B = 16384

_info = plsc.get_sparse_core_info()
_NC = _info.num_cores
_NS = _info.num_subcores
_NW = _NC * _NS
_B_PER_W = _B // _NW
_CHUNK = 128
_N_CHUNKS = _B_PER_W // _CHUNK


def _make_kernel():
    mesh = plsc.VectorSubcoreMesh(core_axis_name="c", subcore_axis_name="s")

    @functools.partial(
        pl.kernel,
        mesh=mesh,
        out_type=(
            jax.ShapeDtypeStruct((_B, _D), jnp.float32),
            jax.ShapeDtypeStruct((_B, _D), jnp.float32),
        ),
        scratch_types=(
            [pltpu.VMEM((_N_CHUNKS, _CHUNK), jnp.int32)]
            + [pltpu.VMEM((7, _CHUNK, _D), jnp.float32)]
            + [pltpu.SemaphoreType.DMA((7,)), pltpu.SemaphoreType.DMA((7,))]
        ),
    )
    def k(ids_hbm, shape_hbm, tex_hbm, zs_hbm, zt_hbm, idx_v, bufs7, gs7, ws7):
        wid = lax.axis_index("s") * _NC + lax.axis_index("c")
        base = wid * _B_PER_W
        bufs = [bufs7.at[i] for i in range(7)]
        gsem = [gs7.at[i] for i in range(7)]
        wsem = [ws7.at[i] for i in range(7)]
        pltpu.sync_copy(ids_hbm.at[wid], idx_v)
        tasks = [
            (shape_hbm, zs_hbm, 0), (tex_hbm, zt_hbm, 0),
            (shape_hbm, zs_hbm, 1), (tex_hbm, zt_hbm, 1),
            (shape_hbm, zs_hbm, 2), (tex_hbm, zt_hbm, 2),
            (shape_hbm, zs_hbm, 3),
        ]
        gcps = [None] * 7
        wcps = [None] * 7
        for i in range(7):
            tbl, _, c = tasks[i]
            gcps[i] = pltpu.async_copy(tbl.at[idx_v.at[c]], bufs[i], gsem[i])

        def fire_write(i):
            _, out, c = tasks[i]
            gcps[i].wait()
            return pltpu.async_copy(
                bufs[i], out.at[pl.ds(base + c * _CHUNK, _CHUNK)], wsem[i])

        def fire_half_gather(b, off):
            return pltpu.async_copy(
                tex_hbm.at[idx_v.at[3, pl.ds(off, 64)]],
                bufs[b].at[pl.ds(0, 64)], gsem[b])

        wcps[0] = fire_write(0)
        wcps[1] = fire_write(1)
        wcps[0].wait()
        g7a = fire_half_gather(0, 0)
        wcps[1].wait()
        g7b = fire_half_gather(1, 64)
        for i in range(2, 7):
            wcps[i] = fire_write(i)
        g7a.wait()
        w7a = pltpu.async_copy(
            bufs[0].at[pl.ds(0, 64)],
            zt_hbm.at[pl.ds(base + 3 * _CHUNK, 64)], wsem[0])
        g7b.wait()
        w7b = pltpu.async_copy(
            bufs[1].at[pl.ds(0, 64)],
            zt_hbm.at[pl.ds(base + 3 * _CHUNK + 64, 64)], wsem[1])
        for i in range(2, 7):
            wcps[i].wait()
        w7a.wait()
        w7b.wait()

    return k


_gather2 = _make_kernel()


def kernel(object_ids, shape_table, texture_table):
    ids = object_ids.astype(jnp.int32).reshape(_NW, _N_CHUNKS, _CHUNK)
    z_s, z_t = _gather2(ids, shape_table, texture_table)
    return (z_s, z_t)

# --- scband reference (transcript-rebuilt; emitter-appended) ---
"""Pipeline reference for scband-shape-texturecode-8658654068869 (READ-ONLY COPY).

The authoritative reference and input builder live on the scoring server;
editing this copy changes nothing except your own understanding.
"""

import jax, jax.numpy as jnp
import numpy as np

NUM_CODES = 100000
CODE_SIZE = 128
BATCH = 16384

def setup_inputs(seed: int = 0) -> dict:
    key = jax.random.key(seed)
    k_idx, k_s, k_t = jax.random.split(key, 3)
    object_ids = jax.random.randint(k_idx, (BATCH,), 0, NUM_CODES, dtype=jnp.int64 if jax.config.jax_enable_x64 else jnp.int32)
    shape_table = jax.random.normal(k_s, (NUM_CODES, CODE_SIZE), dtype=jnp.float32)
    texture_table = jax.random.normal(k_t, (NUM_CODES, CODE_SIZE), dtype=jnp.float32)
    return {"object_ids": object_ids, "shape_table": shape_table, "texture_table": texture_table}

def reference(object_ids, shape_table, texture_table):
    # Embedding lookup into two separate tables (shape code + texture code)
    z_s = jnp.take(shape_table, object_ids, axis=0)
    z_t = jnp.take(texture_table, object_ids, axis=0)
    return (z_s, z_t)

if __name__ == "__main__":
    import jax
    _d = setup_inputs()
    print(jax.jit(kernel)(*tuple(_d.values())))

</pallas_src>

<mosaic_0001>
#map = affine_map<(d0, d1) -> (0, 0, 0)>
#map1 = affine_map<(d0, d1) -> (0, 0)>
module attributes {stable_mosaic.version = 14 : i64} {
  func.func @k(%arg0: i32, %arg1: i32, %arg2: memref<32x4x128xi32, #tpu.memory_space<hbm>>, %arg3: memref<100000x128xf32, #tpu.memory_space<hbm>>, %arg4: memref<100000x128xf32, #tpu.memory_space<hbm>>, %arg5: memref<16384x128xf32, #tpu.memory_space<hbm>>, %arg6: memref<16384x128xf32, #tpu.memory_space<hbm>>, %arg7: memref<4x128xi32, #tpu.memory_space<vmem>>, %arg8: memref<7x128x128xf32, #tpu.memory_space<vmem>>, %arg9: memref<7x!tpu.dma_semaphore, #tpu.memory_space<semaphore_mem>>, %arg10: memref<7x!tpu.dma_semaphore, #tpu.memory_space<semaphore_mem>>) attributes {dimension_semantics = [#tpu.dimension_semantics<core_parallel>, #tpu.dimension_semantics<subcore_parallel>], iteration_bounds = array<i64: 2, 16>, scalar_prefetch = 0 : i64, scratch_operands = 4 : i64, tpu.core_type = #tpu.core_type<sc_vector_subcore>, window_params = [{transform_indices = #map}, {transform_indices = #map1}, {transform_indices = #map1}, {transform_indices = #map1}, {transform_indices = #map1}]} {
    %mul3A = arith.constant 2 : i32
    %mul3A_0 = arith.muli %arg1, %mul3A : i32
    %add3A = arith.addi %mul3A_0, %arg0 : i32
    %mul3A_1 = arith.constant 512 : i32
    %mul3A_2 = arith.muli %add3A, %mul3A_1 : i32
    "tpu.region"() ({
      %run_scoped3A = tpu.sem_alloc : memref<!tpu.dma_semaphore, #tpu.memory_space<semaphore_mem>>
      %dma_start3A_615 = arith.constant 0 : i32
      %dma_start3A_616 = arith.constant 0 : i32
      %dma_start3A_617 = tpu.memref_slice %arg2[%add3A, %dma_start3A_615, %dma_start3A_616] : memref<32x4x128xi32, #tpu.memory_space<hbm>> -> memref<1x4x128xi32, #tpu.memory_space<hbm>>
      %dma_start3A_618 = tpu.memref_squeeze %dma_start3A_617 : memref<1x4x128xi32, #tpu.memory_space<hbm>> -> memref<4x128xi32, #tpu.memory_space<hbm>>
      %dma_start3A_619 = arith.constant 0 : i32
      %dma_start3A_620 = arith.constant 0 : i32
      %dma_start3A_621 = tpu.memref_slice %arg2[%add3A, %dma_start3A_619, %dma_start3A_620] : memref<32x4x128xi32, #tpu.memory_space<hbm>> -> memref<1x4x128xi32, #tpu.memory_space<hbm>>
      %dma_start3A_622 = tpu.memref_squeeze %dma_start3A_621 : memref<1x4x128xi32, #tpu.memory_space<hbm>> -> memref<4x128xi32, #tpu.memory_space<hbm>>
      tpu.enqueue_dma source(%dma_start3A_622 : memref<4x128xi32, #tpu.memory_space<hbm>>) target(%arg7 : memref<4x128xi32, #tpu.memory_space<vmem>>) target_semaphore(%run_scoped3A : memref<!tpu.dma_semaphore, #tpu.memory_space<semaphore_mem>>)
      %dma_wait3A_623 = arith.constant 0 : i32
      %dma_wait3A_624 = arith.constant 0 : i32
      %dma_wait3A_625 = tpu.memref_slice %arg2[%add3A, %dma_wait3A_623, %dma_wait3A_624] : memref<32x4x128xi32, #tpu.memory_space<hbm>> -> memref<1x4x128xi32, #tpu.memory_space<hbm>>
      %dma_wait3A_626 = tpu.memref_squeeze %dma_wait3A_625 : memref<1x4x128xi32, #tpu.memory_space<hbm>> -> memref<4x128xi32, #tpu.memory_space<hbm>>
      %dma_wait3A_627 = arith.constant 0 : i32
      %dma_wait3A_628 = arith.constant 0 : i32
      %dma_wait3A_629 = tpu.memref_slice %arg2[%add3A, %dma_wait3A_627, %dma_wait3A_628] : memref<32x4x128xi32, #tpu.memory_space<hbm>> -> memref<1x4x128xi32, #tpu.memory_space<hbm>>
      %dma_wait3A_630 = tpu.memref_squeeze %dma_wait3A_629 : memref<1x4x128xi32, #tpu.memory_space<hbm>> -> memref<4x128xi32, #tpu.memory_space<hbm>>
      tpu.wait_dma2 semaphore(%run_scoped3A : memref<!tpu.dma_semaphore, #tpu.memory_space<semaphore_mem>>) src(%dma_wait3A_630 : memref<4x128xi32, #tpu.memory_space<hbm>>) dst(%arg7 : memref<4x128xi32, #tpu.memory_space<vmem>>)
      tpu.yield
    }) : () -> ()
    %dma_start3A = arith.constant 0 : i32
    %dma_start3A_3 = arith.constant 0 : i32
    %dma_start3A_4 = arith.constant 0 : i32
    %dma_start3A_5 = arith.constant 0 : i32
    %dma_start3A_6 = arith.constant 0 : i32
    %dma_start3A_7 = tpu.memref_slice %arg8[%dma_start3A_3, %dma_start3A_5, %dma_start3A_6] : memref<7x128x128xf32, #tpu.memory_space<vmem>> -> memref<1x128x128xf32, #tpu.memory_space<vmem>>
    %dma_start3A_8 = tpu.memref_squeeze %dma_start3A_7 : memref<1x128x128xf32, #tpu.memory_space<vmem>> -> memref<128x128xf32, #tpu.memory_space<vmem>>
    %dma_start3A_9 = arith.constant 0 : i32
    %dma_start3A_10 = tpu.memref_slice %arg7[%dma_start3A, %dma_start3A_9] : memref<4x128xi32, #tpu.memory_space<vmem>> -> memref<1x128xi32, #tpu.memory_space<vmem>>
    %dma_start3A_11 = tpu.memref_squeeze %dma_start3A_10 : memref<1x128xi32, #tpu.memory_space<vmem>> -> memref<128xi32, #tpu.memory_space<vmem>>
    %dma_start3A_12 = arith.constant 0 : i32
    %dma_start3A_13 = arith.constant 0 : i32
    %dma_start3A_14 = tpu.memref_slice %arg3[%dma_start3A_12, %dma_start3A_13] : memref<100000x128xf32, #tpu.memory_space<hbm>> -> memref<100000x128xf32, #tpu.memory_space<hbm>>
    %dma_start3A_15 = tpu.memref_slice %arg9[%dma_start3A_4] : memref<7x!tpu.dma_semaphore, #tpu.memory_space<semaphore_mem>> -> memref<1x!tpu.dma_semaphore, #tpu.memory_space<semaphore_mem>>
    %dma_start3A_16 = tpu.memref_squeeze %dma_start3A_15 : memref<1x!tpu.dma_semaphore, #tpu.memory_space<semaphore_mem>> -> memref<!tpu.dma_semaphore, #tpu.memory_space<semaphore_mem>>
    tpu.enqueue_indirect_dma source(%dma_start3A_14 : memref<100000x128xf32, #tpu.memory_space<hbm>>) target(%dma_start3A_8 : memref<128x128xf32, #tpu.memory_space<vmem>>) offsets(%dma_start3A_11 : memref<128xi32, #tpu.memory_space<vmem>>) semaphore(%dma_start3A_16 : memref<!tpu.dma_semaphore, #tpu.memory_space<semaphore_mem>>)
    %dma_start3A_17 = arith.constant 0 : i32
    %dma_start3A_18 = arith.constant 1 : i32
    %dma_start3A_19 = arith.constant 1 : i32
    %dma_start3A_20 = arith.constant 0 : i32
    %dma_start3A_21 = arith.constant 0 : i32
    %dma_start3A_22 = tpu.memref_slice %arg8[%dma_start3A_18, %dma_start3A_20, %dma_start3A_21] : memref<7x128x128xf32, #tpu.memory_space<vmem>> -> memref<1x128x128xf32, #tpu.memory_space<vmem>>
    %dma_start3A_23 = tpu.memref_squeeze %dma_start3A_22 : memref<1x128x128xf32, #tpu.memory_space<vmem>> -> memref<128x128xf32, #tpu.memory_space<vmem>>
    %dma_start3A_24 = arith.constant 0 : i32
    %dma_start3A_25 = tpu.memref_slice %arg7[%dma_start3A_17, %dma_start3A_24] : memref<4x128xi32, #tpu.memory_space<vmem>> -> memref<1x128xi32, #tpu.memory_space<vmem>>
    %dma_start3A_26 = tpu.memref_squeeze %dma_start3A_25 : memref<1x128xi32, #tpu.memory_space<vmem>> -> memref<128xi32, #tpu.memory_space<vmem>>
    %dma_start3A_27 = arith.constant 0 : i32
    %dma_start3A_28 = arith.constant 0 : i32
    %dma_start3A_29 = tpu.memref_slice %arg4[%dma_start3A_27, %dma_start3A_28] : memref<100000x128xf32, #tpu.memory_space<hbm>> -> memref<100000x128xf32, #tpu.memory_space<hbm>>
    %dma_start3A_30 = tpu.memref_slice %arg9[%dma_start3A_19] : memref<7x!tpu.dma_semaphore, #tpu.memory_space<semaphore_mem>> -> memref<1x!tpu.dma_semaphore, #tpu.memory_space<semaphore_mem>>
    %dma_start3A_31 = tpu.memref_squeeze %dma_start3A_30 : memref<1x!tpu.dma_semaphore, #tpu.memory_space<semaphore_mem>> -> memref<!tpu.dma_semaphore, #tpu.memory_space<semaphore_mem>>
    tpu.enqueue_indirect_dma source(%dma_start3A_29 : memref<100000x128xf32, #tpu.memory_space<hbm>>) target(%dma_start3A_23 : memref<128x128xf32, #tpu.memory_space<vmem>>) offsets(%dma_start3A_26 : memref<128xi32, #tpu.memory_space<vmem>>) semaphore(%dma_start3A_31 : memref<!tpu.dma_semaphore, #tpu.memory_space<semaphore_mem>>)
    %dma_start3A_32 = arith.constant 1 : i32
    %dma_start3A_33 = arith.constant 2 : i32
    %dma_start3A_34 = arith.constant 2 : i32
    %dma_start3A_35 = arith.constant 0 : i32
    %dma_start3A_36 = arith.constant 0 : i32
    %dma_start3A_37 = tpu.memref_slice %arg8[%dma_start3A_33, %dma_start3A_35, %dma_start3A_36] : memref<7x128x128xf32, #tpu.memory_space<vmem>> -> memref<1x128x128xf32, #tpu.memory_space<vmem>>
    %dma_start3A_38 = tpu.memref_squeeze %dma_start3A_37 : memref<1x128x128xf32, #tpu.memory_space<vmem>> -> memref<128x128xf32, #tpu.memory_space<vmem>>
    %dma_start3A_39 = arith.constant 0 : i32
    %dma_start3A_40 = tpu.memref_slice %arg7[%dma_start3A_32, %dma_start3A_39] : memref<4x128xi32, #tpu.memory_space<vmem>> -> memref<1x128xi32, #tpu.memory_space<vmem>>
    %dma_start3A_41 = tpu.memref_squeeze %dma_start3A_40 : memref<1x128xi32, #tpu.memory_space<vmem>> -> memref<128xi32, #tpu.memory_space<vmem>>
    %dma_start3A_42 = arith.constant 0 : i32
    %dma_start3A_43 = arith.constant 0 : i32
    %dma_start3A_44 = tpu.memref_slice %arg3[%dma_start3A_42, %dma_start3A_43] : memref<100000x128xf32, #tpu.memory_space<hbm>> -> memref<100000x128xf32, #tpu.memory_space<hbm>>
    %dma_start3A_45 = tpu.memref_slice %arg9[%dma_start3A_34] : memref<7x!tpu.dma_semaphore, #tpu.memory_space<semaphore_mem>> -> memref<1x!tpu.dma_semaphore, #tpu.memory_space<semaphore_mem>>
    %dma_start3A_46 = tpu.memref_squeeze %dma_start3A_45 : memref<1x!tpu.dma_semaphore, #tpu.memory_space<semaphore_mem>> -> memref<!tpu.dma_semaphore, #tpu.memory_space<semaphore_mem>>
    tpu.enqueue_indirect_dma source(%dma_start3A_44 : memref<100000x128xf32, #tpu.memory_space<hbm>>) target(%dma_start3A_38 : memref<128x128xf32, #tpu.memory_space<vmem>>) offsets(%dma_start3A_41 : memref<128xi32, #tpu.memory_space<vmem>>) semaphore(%dma_start3A_46 : memref<!tpu.dma_semaphore, #tpu.memory_space<semaphore_mem>>)
    %dma_start3A_47 = arith.constant 1 : i32
    %dma_start3A_48 = arith.constant 3 : i32
    %dma_start3A_49 = arith.constant 3 : i32
    %dma_start3A_50 = arith.constant 0 : i32
    %dma_start3A_51 = arith.constant 0 : i32
    %dma_start3A_52 = tpu.memref_slice %arg8[%dma_start3A_48, %dma_start3A_50, %dma_start3A_51] : memref<7x128x128xf32, #tpu.memory_space<vmem>> -> memref<1x128x128xf32, #tpu.memory_space<vmem>>
    %dma_start3A_53 = tpu.memref_squeeze %dma_start3A_52 : memref<1x128x128xf32, #tpu.memory_space<vmem>> -> memref<128x128xf32, #tpu.memory_space<vmem>>
    %dma_start3A_54 = arith.constant 0 : i32
    %dma_start3A_55 = tpu.memref_slice %arg7[%dma_start3A_47, %dma_start3A_54] : memref<4x128xi32, #tpu.memory_space<vmem>> -> memref<1x128xi32, #tpu.memory_space<vmem>>
    %dma_start3A_56 = tpu.memref_squeeze %dma_start3A_55 : memref<1x128xi32, #tpu.memory_space<vmem>> -> memref<128xi32, #tpu.memory_space<vmem>>
    %dma_start3A_57 = arith.constant 0 : i32
    %dma_start3A_58 = arith.constant 0 : i32
    %dma_start3A_59 = tpu.memref_slice %arg4[%dma_start3A_57, %dma_start3A_58] : memref<100000x128xf32, #tpu.memory_space<hbm>> -> memref<100000x128xf32, #tpu.memory_space<hbm>>
    %dma_start3A_60 = tpu.memref_slice %arg9[%dma_start3A_49] : memref<7x!tpu.dma_semaphore, #tpu.memory_space<semaphore_mem>> -> memref<1x!tpu.dma_semaphore, #tpu.memory_space<semaphore_mem>>
    %dma_start3A_61 = tpu.memref_squeeze %dma_start3A_60 : memref<1x!tpu.dma_semaphore, #tpu.memory_space<semaphore_mem>> -> memref<!tpu.dma_semaphore, #tpu.memory_space<semaphore_mem>>
    tpu.enqueue_indirect_dma source(%dma_start3A_59 : memref<100000x128xf32, #tpu.memory_space<hbm>>) target(%dma_start3A_53 : memref<128x128xf32, #tpu.memory_space<vmem>>) offsets(%dma_start3A_56 : memref<128xi32, #tpu.memory_space<vmem>>) semaphore(%dma_start3A_61 : memref<!tpu.dma_semaphore, #tpu.memory_space<semaphore_mem>>)
    %dma_start3A_62 = arith.constant 2 : i32
    %dma_start3A_63 = arith.constant 4 : i32
    %dma_start3A_64 = arith.constant 4 : i32
    %dma_start3A_65 = arith.constant 0 : i32
    %dma_start3A_66 = arith.constant 0 : i32
    %dma_start3A_67 = tpu.memref_slice %arg8[%dma_start3A_63, %dma_start3A_65, %dma_start3A_66] : memref<7x128x128xf32, #tpu.memory_space<vmem>> -> memref<1x128x128xf32, #tpu.memory_space<vmem>>
    %dma_start3A_68 = tpu.memref_squeeze %dma_start3A_67 : memref<1x128x128xf32, #tpu.memory_space<vmem>> -> memref<128x128xf32, #tpu.memory_space<vmem>>
    %dma_start3A_69 = arith.constant 0 : i32
    %dma_start3A_70 = tpu.memref_slice %arg7[%dma_start3A_62, %dma_start3A_69] : memref<4x128xi32, #tpu.memory_space<vmem>> -> memref<1x128xi32, #tpu.memory_space<vmem>>
    %dma_start3A_71 = tpu.memref_squeeze %dma_start3A_70 : memref<1x128xi32, #tpu.memory_space<vmem>> -> memref<128xi32, #tpu.memory_space<vmem>>
    %dma_start3A_72 = arith.constant 0 : i32
    %dma_start3A_73 = arith.constant 0 : i32
    %dma_start3A_74 = tpu.memref_slice %arg3[%dma_start3A_72, %dma_start3A_73] : memref<100000x128xf32, #tpu.memory_space<hbm>> -> memref<100000x128xf32, #tpu.memory_space<hbm>>
    %dma_start3A_75 = tpu.memref_slice %arg9[%dma_start3A_64] : memref<7x!tpu.dma_semaphore, #tpu.memory_space<semaphore_mem>> -> memref<1x!tpu.dma_semaphore, #tpu.memory_space<semaphore_mem>>
    %dma_start3A_76 = tpu.memref_squeeze %dma_start3A_75 : memref<1x!tpu.dma_semaphore, #tpu.memory_space<semaphore_mem>> -> memref<!tpu.dma_semaphore, #tpu.memory_space<semaphore_mem>>
    tpu.enqueue_indirect_dma source(%dma_start3A_74 : memref<100000x128xf32, #tpu.memory_space<hbm>>) target(%dma_start3A_68 : memref<128x128xf32, #tpu.memory_space<vmem>>) offsets(%dma_start3A_71 : memref<128xi32, #tpu.memory_space<vmem>>) semaphore(%dma_start3A_76 : memref<!tpu.dma_semaphore, #tpu.memory_space<semaphore_mem>>)
    %dma_start3A_77 = arith.constant 2 : i32
    %dma_start3A_78 = arith.constant 5 : i32
    %dma_start3A_79 = arith.constant 5 : i32
    %dma_start3A_80 = arith.constant 0 : i32
    %dma_start3A_81 = arith.constant 0 : i32
    %dma_start3A_82 = tpu.memref_slice %arg8[%dma_start3A_78, %dma_start3A_80, %dma_start3A_81] : memref<7x128x128xf32, #tpu.memory_space<vmem>> -> memref<1x128x128xf32, #tpu.memory_space<vmem>>
    %dma_start3A_83 = tpu.memref_squeeze %dma_start3A_82 : memref<1x128x128xf32, #tpu.memory_space<vmem>> -> memref<128x128xf32, #tpu.memory_space<vmem>>
    %dma_start3A_84 = arith.constant 0 : i32
    %dma_start3A_85 = tpu.memref_slice %arg7[%dma_start3A_77, %dma_start3A_84] : memref<4x128xi32, #tpu.memory_space<vmem>> -> memref<1x128xi32, #tpu.memory_space<vmem>>
    %dma_start3A_86 = tpu.memref_squeeze %dma_start3A_85 : memref<1x128xi32, #tpu.memory_space<vmem>> -> memref<128xi32, #tpu.memory_space<vmem>>
    %dma_start3A_87 = arith.constant 0 : i32
    %dma_start3A_88 = arith.constant 0 : i32
    %dma_start3A_89 = tpu.memref_slice %arg4[%dma_start3A_87, %dma_start3A_88] : memref<100000x128xf32, #tpu.memory_space<hbm>> -> memref<100000x128xf32, #tpu.memory_space<hbm>>
    %dma_start3A_90 = tpu.memref_slice %arg9[%dma_start3A_79] : memref<7x!tpu.dma_semaphore, #tpu.memory_space<semaphore_mem>> -> memref<1x!tpu.dma_semaphore, #tpu.memory_space<semaphore_mem>>
    %dma_start3A_91 = tpu.memref_squeeze %dma_start3A_90 : memref<1x!tpu.dma_semaphore, #tpu.memory_space<semaphore_mem>> -> memref<!tpu.dma_semaphore, #tpu.memory_space<semaphore_mem>>
    tpu.enqueue_indirect_dma source(%dma_start3A_89 : memref<100000x128xf32, #tpu.memory_space<hbm>>) target(%dma_start3A_83 : memref<128x128xf32, #tpu.memory_space<vmem>>) offsets(%dma_start3A_86 : memref<128xi32, #tpu.memory_space<vmem>>) semaphore(%dma_start3A_91 : memref<!tpu.dma_semaphore, #tpu.memory_space<semaphore_mem>>)
    %dma_start3A_92 = arith.constant 3 : i32
    %dma_start3A_93 = arith.constant 6 : i32
    %dma_start3A_94 = arith.constant 6 : i32
    %dma_start3A_95 = arith.constant 0 : i32
    %dma_start3A_96 = arith.constant 0 : i32
    %dma_start3A_97 = tpu.memref_slice %arg8[%dma_start3A_93, %dma_start3A_95, %dma_start3A_96] : memref<7x128x128xf32, #tpu.memory_space<vmem>> -> memref<1x128x128xf32, #tpu.memory_space<vmem>>
    %dma_start3A_98 = tpu.memref_squeeze %dma_start3A_97 : memref<1x128x128xf32, #tpu.memory_space<vmem>> -> memref<128x128xf32, #tpu.memory_space<vmem>>
    %dma_start3A_99 = arith.constant 0 : i32
    %dma_start3A_100 = tpu.memref_slice %arg7[%dma_start3A_92, %dma_start3A_99] : memref<4x128xi32, #tpu.memory_space<vmem>> -> memref<1x128xi32, #tpu.memory_space<vmem>>
    %dma_start3A_101 = tpu.memref_squeeze %dma_start3A_100 : memref<1x128xi32, #tpu.memory_space<vmem>> -> memref<128xi32, #tpu.memory_space<vmem>>
    %dma_start3A_102 = arith.constant 0 : i32
    %dma_start3A_103 = arith.constant 0 : i32
    %dma_start3A_104 = tpu.memref_slice %arg3[%dma_start3A_102, %dma_start3A_103] : memref<100000x128xf32, #tpu.memory_space<hbm>> -> memref<100000x128xf32, #tpu.memory_space<hbm>>
    %dma_start3A_105 = tpu.memref_slice %arg9[%dma_start3A_94] : memref<7x!tpu.dma_semaphore, #tpu.memory_space<semaphore_mem>> -> memref<1x!tpu.dma_semaphore, #tpu.memory_space<semaphore_mem>>
    %dma_start3A_106 = tpu.memref_squeeze %dma_start3A_105 : memref<1x!tpu.dma_semaphore, #tpu.memory_space<semaphore_mem>> -> memref<!tpu.dma_semaphore, #tpu.memory_space<semaphore_mem>>
    tpu.enqueue_indirect_dma source(%dma_start3A_104 : memref<100000x128xf32, #tpu.memory_space<hbm>>) target(%dma_start3A_98 : memref<128x128xf32, #tpu.memory_space<vmem>>) offsets(%dma_start3A_101 : memref<128xi32, #tpu.memory_space<vmem>>) semaphore(%dma_start3A_106 : memref<!tpu.dma_semaphore, #tpu.memory_space<semaphore_mem>>)
    %dma_wait3A = arith.constant 0 : i32
    %dma_wait3A_107 = arith.constant 0 : i32
    %dma_wait3A_108 = arith.constant 0 : i32
    %dma_wait3A_109 = arith.constant 0 : i32
    %dma_wait3A_110 = arith.constant 0 : i32
    %dma_wait3A_111 = tpu.memref_slice %arg8[%dma_wait3A_107, %dma_wait3A_109, %dma_wait3A_110] : memref<7x128x128xf32, #tpu.memory_space<vmem>> -> memref<1x128x128xf32, #tpu.memory_space<vmem>>
    %dma_wait3A_112 = tpu.memref_squeeze %dma_wait3A_111 : memref<1x128x128xf32, #tpu.memory_space<vmem>> -> memref<128x128xf32, #tpu.memory_space<vmem>>
    %dma_wait3A_113 = arith.constant 0 : i32
    %dma_wait3A_114 = tpu.memref_slice %arg7[%dma_wait3A, %dma_wait3A_113] : memref<4x128xi32, #tpu.memory_space<vmem>> -> memref<1x128xi32, #tpu.memory_space<vmem>>
    %dma_wait3A_115 = tpu.memref_squeeze %dma_wait3A_114 : memref<1x128xi32, #tpu.memory_space<vmem>> -> memref<128xi32, #tpu.memory_space<vmem>>
    %dma_wait3A_116 = arith.constant 0 : i32
    %dma_wait3A_117 = arith.constant 0 : i32
    %dma_wait3A_118 = tpu.memref_slice %arg3[%dma_wait3A_116, %dma_wait3A_117] : memref<100000x128xf32, #tpu.memory_space<hbm>> -> memref<100000x128xf32, #tpu.memory_space<hbm>>
    %dma_wait3A_119 = tpu.memref_slice %arg9[%dma_wait3A_108] : memref<7x!tpu.dma_semaphore, #tpu.memory_space<semaphore_mem>> -> memref<1x!tpu.dma_semaphore, #tpu.memory_space<semaphore_mem>>
    %dma_wait3A_120 = tpu.memref_squeeze %dma_wait3A_119 : memref<1x!tpu.dma_semaphore, #tpu.memory_space<semaphore_mem>> -> memref<!tpu.dma_semaphore, #tpu.memory_space<semaphore_mem>>
    tpu.wait_indirect_dma semaphore(%dma_wait3A_120 : memref<!tpu.dma_semaphore, #tpu.memory_space<semaphore_mem>>) src(%dma_wait3A_118 : memref<100000x128xf32, #tpu.memory_space<hbm>>) dst(%dma_wait3A_112 : memref<128x128xf32, #tpu.memory_space<vmem>>)
    %add3A_121 = arith.constant 0 : i32
    %add3A_122 = arith.addi %mul3A_2, %add3A_121 : i32
    %dma_start3A_123 = arith.constant 0 : i32
    %dma_start3A_124 = arith.constant 0 : i32
    %dma_start3A_125 = arith.constant 0 : i32
    %dma_start3A_126 = arith.constant 0 : i32
    %dma_start3A_127 = tpu.memref_slice %arg8[%dma_start3A_123, %dma_start3A_125, %dma_start3A_126] : memref<7x128x128xf32, #tpu.memory_space<vmem>> -> memref<1x128x128xf32, #tpu.memory_space<vmem>>
    %dma_start3A_128 = tpu.memref_squeeze %dma_start3A_127 : memref<1x128x128xf32, #tpu.memory_space<vmem>> -> memref<128x128xf32, #tpu.memory_space<vmem>>
    %dma_start3A_129 = arith.constant 0 : i32
    %dma_start3A_130 = tpu.memref_slice %arg5[%add3A_122, %dma_start3A_129] : memref<16384x128xf32, #tpu.memory_space<hbm>> -> memref<128x128xf32, #tpu.memory_space<hbm>>
    %dma_start3A_131 = tpu.memref_slice %arg10[%dma_start3A_124] : memref<7x!tpu.dma_semaphore, #tpu.memory_space<semaphore_mem>> -> memref<1x!tpu.dma_semaphore, #tpu.memory_space<semaphore_mem>>
    %dma_start3A_132 = tpu.memref_squeeze %dma_start3A_131 : memref<1x!tpu.dma_semaphore, #tpu.memory_space<semaphore_mem>> -> memref<!tpu.dma_semaphore, #tpu.memory_space<semaphore_mem>>
    %dma_start3A_133 = arith.constant 0 : i32
    %dma_start3A_134 = tpu.memref_slice %arg5[%add3A_122, %dma_start3A_133] : memref<16384x128xf32, #tpu.memory_space<hbm>> -> memref<128x128xf32, #tpu.memory_space<hbm>>
    %dma_start3A_135 = arith.constant 0 : i32
    %dma_start3A_136 = arith.constant 0 : i32
    %dma_start3A_137 = tpu.memref_slice %arg8[%dma_start3A_123, %dma_start3A_135, %dma_start3A_136] : memref<7x128x128xf32, #tpu.memory_space<vmem>> -> memref<1x128x128xf32, #tpu.memory_space<vmem>>
    %dma_start3A_138 = tpu.memref_squeeze %dma_start3A_137 : memref<1x128x128xf32, #tpu.memory_space<vmem>> -> memref<128x128xf32, #tpu.memory_space<vmem>>
    tpu.enqueue_dma source(%dma_start3A_138 : memref<128x128xf32, #tpu.memory_space<vmem>>) target(%dma_start3A_134 : memref<128x128xf32, #tpu.memory_space<hbm>>) target_semaphore(%dma_start3A_132 : memref<!tpu.dma_semaphore, #tpu.memory_space<semaphore_mem>>)
    %dma_wait3A_139 = arith.constant 0 : i32
    %dma_wait3A_140 = arith.constant 1 : i32
    %dma_wait3A_141 = arith.constant 1 : i32
    %dma_wait3A_142 = arith.constant 0 : i32
    %dma_wait3A_143 = arith.constant 0 : i32
    %dma_wait3A_144 = tpu.memref_slice %arg8[%dma_wait3A_140, %dma_wait3A_142, %dma_wait3A_143] : memref<7x128x128xf32, #tpu.memory_space<vmem>> -> memref<1x128x128xf32, #tpu.memory_space<vmem>>
    %dma_wait3A_145 = tpu.memref_squeeze %dma_wait3A_144 : memref<1x128x128xf32, #tpu.memory_space<vmem>> -> memref<128x128xf32, #tpu.memory_space<vmem>>
    %dma_wait3A_146 = arith.constant 0 : i32
    %dma_wait3A_147 = tpu.memref_slice %arg7[%dma_wait3A_139, %dma_wait3A_146] : memref<4x128xi32, #tpu.memory_space<vmem>> -> memref<1x128xi32, #tpu.memory_space<vmem>>
    %dma_wait3A_148 = tpu.memref_squeeze %dma_wait3A_147 : memref<1x128xi32, #tpu.memory_space<vmem>> -> memref<128xi32, #tpu.memory_space<vmem>>
    %dma_wait3A_149 = arith.constant 0 : i32
    %dma_wait3A_150 = arith.constant 0 : i32
    %dma_wait3A_151 = tpu.memref_slice %arg4[%dma_wait3A_149, %dma_wait3A_150] : memref<100000x128xf32, #tpu.memory_space<hbm>> -> memref<100000x128xf32, #tpu.memory_space<hbm>>
    %dma_wait3A_152 = tpu.memref_slice %arg9[%dma_wait3A_141] : memref<7x!tpu.dma_semaphore, #tpu.memory_space<semaphore_mem>> -> memref<1x!tpu.dma_semaphore, #tpu.memory_space<semaphore_mem>>
    %dma_wait3A_153 = tpu.memref_squeeze %dma_wait3A_152 : memref<1x!tpu.dma_semaphore, #tpu.memory_space<semaphore_mem>> -> memref<!tpu.dma_semaphore, #tpu.memory_space<semaphore_mem>>
    tpu.wait_indirect_dma semaphore(%dma_wait3A_153 : memref<!tpu.dma_semaphore, #tpu.memory_space<semaphore_mem>>) src(%dma_wait3A_151 : memref<100000x128xf32, #tpu.memory_space<hbm>>) dst(%dma_wait3A_145 : memref<128x128xf32, #tpu.memory_space<vmem>>)
    %add3A_154 = arith.constant 0 : i32
    %add3A_155 = arith.addi %mul3A_2, %add3A_154 : i32
    %dma_start3A_156 = arith.constant 1 : i32
    %dma_start3A_157 = arith.constant 1 : i32
    %dma_start3A_158 = arith.constant 0 : i32
    %dma_start3A_159 = arith.constant 0 : i32
    %dma_start3A_160 = tpu.memref_slice %arg8[%dma_start3A_156, %dma_start3A_158, %dma_start3A_159] : memref<7x128x128xf32, #tpu.memory_space<vmem>> -> memref<1x128x128xf32, #tpu.memory_space<vmem>>
    %dma_start3A_161 = tpu.memref_squeeze %dma_start3A_160 : memref<1x128x128xf32, #tpu.memory_space<vmem>> -> memref<128x128xf32, #tpu.memory_space<vmem>>
    %dma_start3A_162 = arith.constant 0 : i32
    %dma_start3A_163 = tpu.memref_slice %arg6[%add3A_155, %dma_start3A_162] : memref<16384x128xf32, #tpu.memory_space<hbm>> -> memref<128x128xf32, #tpu.memory_space<hbm>>
    %dma_start3A_164 = tpu.memref_slice %arg10[%dma_start3A_157] : memref<7x!tpu.dma_semaphore, #tpu.memory_space<semaphore_mem>> -> memref<1x!tpu.dma_semaphore, #tpu.memory_space<semaphore_mem>>
    %dma_start3A_165 = tpu.memref_squeeze %dma_start3A_164 : memref<1x!tpu.dma_semaphore, #tpu.memory_space<semaphore_mem>> -> memref<!tpu.dma_semaphore, #tpu.memory_space<semaphore_mem>>
    %dma_start3A_166 = arith.constant 0 : i32
    %dma_start3A_167 = tpu.memref_slice %arg6[%add3A_155, %dma_start3A_166] : memref<16384x128xf32, #tpu.memory_space<hbm>> -> memref<128x128xf32, #tpu.memory_space<hbm>>
    %dma_start3A_168 = arith.constant 0 : i32
    %dma_start3A_169 = arith.constant 0 : i32
    %dma_start3A_170 = tpu.memref_slice %arg8[%dma_start3A_156, %dma_start3A_168, %dma_start3A_169] : memref<7x128x128xf32, #tpu.memory_space<vmem>> -> memref<1x128x128xf32, #tpu.memory_space<vmem>>
    %dma_start3A_171 = tpu.memref_squeeze %dma_start3A_170 : memref<1x128x128xf32, #tpu.memory_space<vmem>> -> memref<128x128xf32, #tpu.memory_space<vmem>>
    tpu.enqueue_dma source(%dma_start3A_171 : memref<128x128xf32, #tpu.memory_space<vmem>>) target(%dma_start3A_167 : memref<128x128xf32, #tpu.memory_space<hbm>>) target_semaphore(%dma_start3A_165 : memref<!tpu.dma_semaphore, #tpu.memory_space<semaphore_mem>>)
    %dma_wait3A_172 = arith.constant 0 : i32
    %dma_wait3A_173 = arith.constant 0 : i32
    %dma_wait3A_174 = arith.constant 0 : i32
    %dma_wait3A_175 = arith.constant 0 : i32
    %dma_wait3A_176 = tpu.memref_slice %arg8[%dma_wait3A_172, %dma_wait3A_174, %dma_wait3A_175] : memref<7x128x128xf32, #tpu.memory_space<vmem>> -> memref<1x128x128xf32, #tpu.memory_space<vmem>>
    %dma_wait3A_177 = tpu.memref_squeeze %dma_wait3A_176 : memref<1x128x128xf32, #tpu.memory_space<vmem>> -> memref<128x128xf32, #tpu.memory_space<vmem>>
    %dma_wait3A_178 = arith.constant 0 : i32
    %dma_wait3A_179 = tpu.memref_slice %arg5[%add3A_122, %dma_wait3A_178] : memref<16384x128xf32, #tpu.memory_space<hbm>> -> memref<128x128xf32, #tpu.memory_space<hbm>>
    %dma_wait3A_180 = tpu.memref_slice %arg10[%dma_wait3A_173] : memref<7x!tpu.dma_semaphore, #tpu.memory_space<semaphore_mem>> -> memref<1x!tpu.dma_semaphore, #tpu.memory_space<semaphore_mem>>
    %dma_wait3A_181 = tpu.memref_squeeze %dma_wait3A_180 : memref<1x!tpu.dma_semaphore, #tpu.memory_space<semaphore_mem>> -> memref<!tpu.dma_semaphore, #tpu.memory_space<semaphore_mem>>
    %dma_wait3A_182 = arith.constant 0 : i32
    %dma_wait3A_183 = tpu.memref_slice %arg5[%add3A_122, %dma_wait3A_182] : memref<16384x128xf32, #tpu.memory_space<hbm>> -> memref<128x128xf32, #tpu.memory_space<hbm>>
    %dma_wait3A_184 = arith.constant 0 : i32
    %dma_wait3A_185 = arith.constant 0 : i32
    %dma_wait3A_186 = tpu.memref_slice %arg8[%dma_wait3A_172, %dma_wait3A_184, %dma_wait3A_185] : memref<7x128x128xf32, #tpu.memory_space<vmem>> -> memref<1x128x128xf32, #tpu.memory_space<vmem>>
    %dma_wait3A_187 = tpu.memref_squeeze %dma_wait3A_186 : memref<1x128x128xf32, #tpu.memory_space<vmem>> -> memref<128x128xf32, #tpu.memory_space<vmem>>
    tpu.wait_dma2 semaphore(%dma_wait3A_181 : memref<!tpu.dma_semaphore, #tpu.memory_space<semaphore_mem>>) src(%dma_wait3A_187 : memref<128x128xf32, #tpu.memory_space<vmem>>) dst(%dma_wait3A_183 : memref<128x128xf32, #tpu.memory_space<hbm>>)
    %dma_start3A_188 = arith.constant 3 : i32
    %dma_start3A_189 = arith.constant 0 : i32
    %dma_start3A_190 = arith.constant 0 : i32
    %dma_start3A_191 = arith.constant 0 : i32
    %dma_start3A_192 = arith.constant 0 : i32
    %dma_start3A_193 = tpu.memref_slice %arg8[%dma_start3A_189, %dma_start3A_191, %dma_start3A_192] : memref<7x128x128xf32, #tpu.memory_space<vmem>> -> memref<1x128x128xf32, #tpu.memory_space<vmem>>
    %dma_start3A_194 = tpu.memref_squeeze %dma_start3A_193 : memref<1x128x128xf32, #tpu.memory_space<vmem>> -> memref<128x128xf32, #tpu.memory_space<vmem>>
    %dma_start3A_195 = arith.constant 0 : i32
    %dma_start3A_196 = arith.constant 0 : i32
    %dma_start3A_197 = tpu.memref_slice %dma_start3A_194[%dma_start3A_195, %dma_start3A_196] : memref<128x128xf32, #tpu.memory_space<vmem>> -> memref<64x128xf32, #tpu.memory_space<vmem>>
    %dma_start3A_198 = arith.constant 0 : i32
    %dma_start3A_199 = tpu.memref_slice %arg7[%dma_start3A_188, %dma_start3A_198] : memref<4x128xi32, #tpu.memory_space<vmem>> -> memref<1x64xi32, #tpu.memory_space<vmem>>
    %dma_start3A_200 = tpu.memref_squeeze %dma_start3A_199 : memref<1x64xi32, #tpu.memory_space<vmem>> -> memref<64xi32, #tpu.memory_space<vmem>>
    %dma_start3A_201 = arith.constant 0 : i32
    %dma_start3A_202 = arith.constant 0 : i32
    %dma_start3A_203 = tpu.memref_slice %arg4[%dma_start3A_201, %dma_start3A_202] : memref<100000x128xf32, #tpu.memory_space<hbm>> -> memref<100000x128xf32, #tpu.memory_space<hbm>>
    %dma_start3A_204 = tpu.memref_slice %arg9[%dma_start3A_190] : memref<7x!tpu.dma_semaphore, #tpu.memory_space<semaphore_mem>> -> memref<1x!tpu.dma_semaphore, #tpu.memory_space<semaphore_mem>>
    %dma_start3A_205 = tpu.memref_squeeze %dma_start3A_204 : memref<1x!tpu.dma_semaphore, #tpu.memory_space<semaphore_mem>> -> memref<!tpu.dma_semaphore, #tpu.memory_space<semaphore_mem>>
    tpu.enqueue_indirect_dma source(%dma_start3A_203 : memref<100000x128xf32, #tpu.memory_space<hbm>>) target(%dma_start3A_197 : memref<64x128xf32, #tpu.memory_space<vmem>>) offsets(%dma_start3A_200 : memref<64xi32, #tpu.memory_space<vmem>>) semaphore(%dma_start3A_205 : memref<!tpu.dma_semaphore, #tpu.memory_space<semaphore_mem>>)
    %dma_wait3A_206 = arith.constant 1 : i32
    %dma_wait3A_207 = arith.constant 1 : i32
    %dma_wait3A_208 = arith.constant 0 : i32
    %dma_wait3A_209 = arith.constant 0 : i32
    %dma_wait3A_210 = tpu.memref_slice %arg8[%dma_wait3A_206, %dma_wait3A_208, %dma_wait3A_209] : memref<7x128x128xf32, #tpu.memory_space<vmem>> -> memref<1x128x128xf32, #tpu.memory_space<vmem>>
    %dma_wait3A_211 = tpu.memref_squeeze %dma_wait3A_210 : memref<1x128x128xf32, #tpu.memory_space<vmem>> -> memref<128x128xf32, #tpu.memory_space<vmem>>
    %dma_wait3A_212 = arith.constant 0 : i32
    %dma_wait3A_213 = tpu.memref_slice %arg6[%add3A_155, %dma_wait3A_212] : memref<16384x128xf32, #tpu.memory_space<hbm>> -> memref<128x128xf32, #tpu.memory_space<hbm>>
    %dma_wait3A_214 = tpu.memref_slice %arg10[%dma_wait3A_207] : memref<7x!tpu.dma_semaphore, #tpu.memory_space<semaphore_mem>> -> memref<1x!tpu.dma_semaphore, #tpu.memory_space<semaphore_mem>>
    %dma_wait3A_215 = tpu.memref_squeeze %dma_wait3A_214 : memref<1x!tpu.dma_semaphore, #tpu.memory_space<semaphore_mem>> -> memref<!tpu.dma_semaphore, #tpu.memory_space<semaphore_mem>>
    %dma_wait3A_216 = arith.constant 0 : i32
    %dma_wait3A_217 = tpu.memref_slice %arg6[%add3A_155, %dma_wait3A_216] : memref<16384x128xf32, #tpu.memory_space<hbm>> -> memref<128x128xf32, #tpu.memory_space<hbm>>
    %dma_wait3A_218 = arith.constant 0 : i32
    %dma_wait3A_219 = arith.constant 0 : i32
    %dma_wait3A_220 = tpu.memref_slice %arg8[%dma_wait3A_206, %dma_wait3A_218, %dma_wait3A_219] : memref<7x128x128xf32, #tpu.memory_space<vmem>> -> memref<1x128x128xf32, #tpu.memory_space<vmem>>
    %dma_wait3A_221 = tpu.memref_squeeze %dma_wait3A_220 : memref<1x128x128xf32, #tpu.memory_space<vmem>> -> memref<128x128xf32, #tpu.memory_space<vmem>>
    tpu.wait_dma2 semaphore(%dma_wait3A_215 : memref<!tpu.dma_semaphore, #tpu.memory_space<semaphore_mem>>) src(%dma_wait3A_221 : memref<128x128xf32, #tpu.memory_space<vmem>>) dst(%dma_wait3A_217 : memref<128x128xf32, #tpu.memory_space<hbm>>)
    %dma_start3A_222 = arith.constant 3 : i32
    %dma_start3A_223 = arith.constant 1 : i32
    %dma_start3A_224 = arith.constant 1 : i32
    %dma_start3A_225 = arith.constant 0 : i32
    %dma_start3A_226 = arith.constant 0 : i32
    %dma_start3A_227 = tpu.memref_slice %arg8[%dma_start3A_223, %dma_start3A_225, %dma_start3A_226] : memref<7x128x128xf32, #tpu.memory_space<vmem>> -> memref<1x128x128xf32, #tpu.memory_space<vmem>>
    %dma_start3A_228 = tpu.memref_squeeze %dma_start3A_227 : memref<1x128x128xf32, #tpu.memory_space<vmem>> -> memref<128x128xf32, #tpu.memory_space<vmem>>
    %dma_start3A_229 = arith.constant 0 : i32
    %dma_start3A_230 = arith.constant 0 : i32
    %dma_start3A_231 = tpu.memref_slice %dma_start3A_228[%dma_start3A_229, %dma_start3A_230] : memref<128x128xf32, #tpu.memory_space<vmem>> -> memref<64x128xf32, #tpu.memory_space<vmem>>
    %dma_start3A_232 = arith.constant 64 : i32
    %dma_start3A_233 = tpu.memref_slice %arg7[%dma_start3A_222, %dma_start3A_232] : memref<4x128xi32, #tpu.memory_space<vmem>> -> memref<1x64xi32, #tpu.memory_space<vmem>>
    %dma_start3A_234 = tpu.memref_squeeze %dma_start3A_233 : memref<1x64xi32, #tpu.memory_space<vmem>> -> memref<64xi32, #tpu.memory_space<vmem>>
    %dma_start3A_235 = arith.constant 0 : i32
    %dma_start3A_236 = arith.constant 0 : i32
    %dma_start3A_237 = tpu.memref_slice %arg4[%dma_start3A_235, %dma_start3A_236] : memref<100000x128xf32, #tpu.memory_space<hbm>> -> memref<100000x128xf32, #tpu.memory_space<hbm>>
    %dma_start3A_238 = tpu.memref_slice %arg9[%dma_start3A_224] : memref<7x!tpu.dma_semaphore, #tpu.memory_space<semaphore_mem>> -> memref<1x!tpu.dma_semaphore, #tpu.memory_space<semaphore_mem>>
    %dma_start3A_239 = tpu.memref_squeeze %dma_start3A_238 : memref<1x!tpu.dma_semaphore, #tpu.memory_space<semaphore_mem>> -> memref<!tpu.dma_semaphore, #tpu.memory_space<semaphore_mem>>
    tpu.enqueue_indirect_dma source(%dma_start3A_237 : memref<100000x128xf32, #tpu.memory_space<hbm>>) target(%dma_start3A_231 : memref<64x128xf32, #tpu.memory_space<vmem>>) offsets(%dma_start3A_234 : memref<64xi32, #tpu.memory_space<vmem>>) semaphore(%dma_start3A_239 : memref<!tpu.dma_semaphore, #tpu.memory_space<semaphore_mem>>)
    %dma_wait3A_240 = arith.constant 1 : i32
    %dma_wait3A_241 = arith.constant 2 : i32
    %dma_wait3A_242 = arith.constant 2 : i32
    %dma_wait3A_243 = arith.constant 0 : i32
    %dma_wait3A_244 = arith.constant 0 : i32
    %dma_wait3A_245 = tpu.memref_slice %arg8[%dma_wait3A_241, %dma_wait3A_243, %dma_wait3A_244] : memref<7x128x128xf32, #tpu.memory_space<vmem>> -> memref<1x128x128xf32, #tpu.memory_space<vmem>>
    %dma_wait3A_246 = tpu.memref_squeeze %dma_wait3A_245 : memref<1x128x128xf32, #tpu.memory_space<vmem>> -> memref<128x128xf32, #tpu.memory_space<vmem>>
    %dma_wait3A_247 = arith.constant 0 : i32
    %dma_wait3A_248 = tpu.memref_slice %arg7[%dma_wait3A_240, %dma_wait3A_247] : memref<4x128xi32, #tpu.memory_space<vmem>> -> memref<1x128xi32, #tpu.memory_space<vmem>>
    %dma_wait3A_249 = tpu.memref_squeeze %dma_wait3A_248 : memref<1x128xi32, #tpu.memory_space<vmem>> -> memref<128xi32, #tpu.memory_space<vmem>>
    %dma_wait3A_250 = arith.constant 0 : i32
    %dma_wait3A_251 = arith.constant 0 : i32
    %dma_wait3A_252 = tpu.memref_slice %arg3[%dma_wait3A_250, %dma_wait3A_251] : memref<100000x128xf32, #tpu.memory_space<hbm>> -> memref<100000x128xf32, #tpu.memory_space<hbm>>
    %dma_wait3A_253 = tpu.memref_slice %arg9[%dma_wait3A_242] : memref<7x!tpu.dma_semaphore, #tpu.memory_space<semaphore_mem>> -> memref<1x!tpu.dma_semaphore, #tpu.memory_space<semaphore_mem>>
    %dma_wait3A_254 = tpu.memref_squeeze %dma_wait3A_253 : memref<1x!tpu.dma_semaphore, #tpu.memory_space<semaphore_mem>> -> memref<!tpu.dma_semaphore, #tpu.memory_space<semaphore_mem>>
    tpu.wait_indirect_dma semaphore(%dma_wait3A_254 : memref<!tpu.dma_semaphore, #tpu.memory_space<semaphore_mem>>) src(%dma_wait3A_252 : memref<100000x128xf32, #tpu.memory_space<hbm>>) dst(%dma_wait3A_246 : memref<128x128xf32, #tpu.memory_space<vmem>>)
    %add3A_255 = arith.constant 128 : i32
    %add3A_256 = arith.addi %mul3A_2, %add3A_255 : i32
    %dma_start3A_257 = arith.constant 2 : i32
    %dma_start3A_258 = arith.constant 2 : i32
    %dma_start3A_259 = arith.constant 0 : i32
    %dma_start3A_260 = arith.constant 0 : i32
    %dma_start3A_261 = tpu.memref_slice %arg8[%dma_start3A_257, %dma_start3A_259, %dma_start3A_260] : memref<7x128x128xf32, #tpu.memory_space<vmem>> -> memref<1x128x128xf32, #tpu.memory_space<vmem>>
    %dma_start3A_262 = tpu.memref_squeeze %dma_start3A_261 : memref<1x128x128xf32, #tpu.memory_space<vmem>> -> memref<128x128xf32, #tpu.memory_space<vmem>>
    %dma_start3A_263 = arith.constant 0 : i32
    %dma_start3A_264 = tpu.memref_slice %arg5[%add3A_256, %dma_start3A_263] : memref<16384x128xf32, #tpu.memory_space<hbm>> -> memref<128x128xf32, #tpu.memory_space<hbm>>
    %dma_start3A_265 = tpu.memref_slice %arg10[%dma_start3A_258] : memref<7x!tpu.dma_semaphore, #tpu.memory_space<semaphore_mem>> -> memref<1x!tpu.dma_semaphore, #tpu.memory_space<semaphore_mem>>
    %dma_start3A_266 = tpu.memref_squeeze %dma_start3A_265 : memref<1x!tpu.dma_semaphore, #tpu.memory_space<semaphore_mem>> -> memref<!tpu.dma_semaphore, #tpu.memory_space<semaphore_mem>>
    %dma_start3A_267 = arith.constant 0 : i32
    %dma_start3A_268 = tpu.memref_slice %arg5[%add3A_256, %dma_start3A_267] : memref<16384x128xf32, #tpu.memory_space<hbm>> -> memref<128x128xf32, #tpu.memory_space<hbm>>
    %dma_start3A_269 = arith.constant 0 : i32
    %dma_start3A_270 = arith.constant 0 : i32
    %dma_start3A_271 = tpu.memref_slice %arg8[%dma_start3A_257, %dma_start3A_269, %dma_start3A_270] : memref<7x128x128xf32, #tpu.memory_space<vmem>> -> memref<1x128x128xf32, #tpu.memory_space<vmem>>
    %dma_start3A_272 = tpu.memref_squeeze %dma_start3A_271 : memref<1x128x128xf32, #tpu.memory_space<vmem>> -> memref<128x128xf32, #tpu.memory_space<vmem>>
    tpu.enqueue_dma source(%dma_start3A_272 : memref<128x128xf32, #tpu.memory_space<vmem>>) target(%dma_start3A_268 : memref<128x128xf32, #tpu.memory_space<hbm>>) target_semaphore(%dma_start3A_266 : memref<!tpu.dma_semaphore, #tpu.memory_space<semaphore_mem>>)
    %dma_wait3A_273 = arith.constant 1 : i32
    %dma_wait3A_274 = arith.constant 3 : i32
    %dma_wait3A_275 = arith.constant 3 : i32
    %dma_wait3A_276 = arith.constant 0 : i32
    %dma_wait3A_277 = arith.constant 0 : i32
    %dma_wait3A_278 = tpu.memref_slice %arg8[%dma_wait3A_274, %dma_wait3A_276, %dma_wait3A_277] : memref<7x128x128xf32, #tpu.memory_space<vmem>> -> memref<1x128x128xf32, #tpu.memory_space<vmem>>
    %dma_wait3A_279 = tpu.memref_squeeze %dma_wait3A_278 : memref<1x128x128xf32, #tpu.memory_space<vmem>> -> memref<128x128xf32, #tpu.memory_space<vmem>>
    %dma_wait3A_280 = arith.constant 0 : i32
    %dma_wait3A_281 = tpu.memref_slice %arg7[%dma_wait3A_273, %dma_wait3A_280] : memref<4x128xi32, #tpu.memory_space<vmem>> -> memref<1x128xi32, #tpu.memory_space<vmem>>
    %dma_wait3A_282 = tpu.memref_squeeze %dma_wait3A_281 : memref<1x128xi32, #tpu.memory_space<vmem>> -> memref<128xi32, #tpu.memory_space<vmem>>
    %dma_wait3A_283 = arith.constant 0 : i32
    %dma_wait3A_284 = arith.constant 0 : i32
    %dma_wait3A_285 = tpu.memref_slice %arg4[%dma_wait3A_283, %dma_wait3A_284] : memref<100000x128xf32, #tpu.memory_space<hbm>> -> memref<100000x128xf32, #tpu.memory_space<hbm>>
    %dma_wait3A_286 = tpu.memref_slice %arg9[%dma_wait3A_275] : memref<7x!tpu.dma_semaphore, #tpu.memory_space<semaphore_mem>> -> memref<1x!tpu.dma_semaphore, #tpu.memory_space<semaphore_mem>>
    %dma_wait3A_287 = tpu.memref_squeeze %dma_wait3A_286 : memref<1x!tpu.dma_semaphore, #tpu.memory_space<semaphore_mem>> -> memref<!tpu.dma_semaphore, #tpu.memory_space<semaphore_mem>>
    tpu.wait_indirect_dma semaphore(%dma_wait3A_287 : memref<!tpu.dma_semaphore, #tpu.memory_space<semaphore_mem>>) src(%dma_wait3A_285 : memref<100000x128xf32, #tpu.memory_space<hbm>>) dst(%dma_wait3A_279 : memref<128x128xf32, #tpu.memory_space<vmem>>)
    %add3A_288 = arith.constant 128 : i32
    %add3A_289 = arith.addi %mul3A_2, %add3A_288 : i32
    %dma_start3A_290 = arith.constant 3 : i32
    %dma_start3A_291 = arith.constant 3 : i32
    %dma_start3A_292 = arith.constant 0 : i32
    %dma_start3A_293 = arith.constant 0 : i32
    %dma_start3A_294 = tpu.memref_slice %arg8[%dma_start3A_290, %dma_start3A_292, %dma_start3A_293] : memref<7x128x128xf32, #tpu.memory_space<vmem>> -> memref<1x128x128xf32, #tpu.memory_space<vmem>>
    %dma_start3A_295 = tpu.memref_squeeze %dma_start3A_294 : memref<1x128x128xf32, #tpu.memory_space<vmem>> -> memref<128x128xf32, #tpu.memory_space<vmem>>
    %dma_start3A_296 = arith.constant 0 : i32
    %dma_start3A_297 = tpu.memref_slice %arg6[%add3A_289, %dma_start3A_296] : memref<16384x128xf32, #tpu.memory_space<hbm>> -> memref<128x128xf32, #tpu.memory_space<hbm>>
    %dma_start3A_298 = tpu.memref_slice %arg10[%dma_start3A_291] : memref<7x!tpu.dma_semaphore, #tpu.memory_space<semaphore_mem>> -> memref<1x!tpu.dma_semaphore, #tpu.memory_space<semaphore_mem>>
    %dma_start3A_299 = tpu.memref_squeeze %dma_start3A_298 : memref<1x!tpu.dma_semaphore, #tpu.memory_space<semaphore_mem>> -> memref<!tpu.dma_semaphore, #tpu.memory_space<semaphore_mem>>
    %dma_start3A_300 = arith.constant 0 : i32
    %dma_start3A_301 = tpu.memref_slice %arg6[%add3A_289, %dma_start3A_300] : memref<16384x128xf32, #tpu.memory_space<hbm>> -> memref<128x128xf32, #tpu.memory_space<hbm>>
    %dma_start3A_302 = arith.constant 0 : i32
    %dma_start3A_303 = arith.constant 0 : i32
    %dma_start3A_304 = tpu.memref_slice %arg8[%dma_start3A_290, %dma_start3A_302, %dma_start3A_303] : memref<7x128x128xf32, #tpu.memory_space<vmem>> -> memref<1x128x128xf32, #tpu.memory_space<vmem>>
    %dma_start3A_305 = tpu.memref_squeeze %dma_start3A_304 : memref<1x128x128xf32, #tpu.memory_space<vmem>> -> memref<128x128xf32, #tpu.memory_space<vmem>>
    tpu.enqueue_dma source(%dma_start3A_305 : memref<128x128xf32, #tpu.memory_space<vmem>>) target(%dma_start3A_301 : memref<128x128xf32, #tpu.memory_space<hbm>>) target_semaphore(%dma_start3A_299 : memref<!tpu.dma_semaphore, #tpu.memory_space<semaphore_mem>>)
    %dma_wait3A_306 = arith.constant 2 : i32
    %dma_wait3A_307 = arith.constant 4 : i32
    %dma_wait3A_308 = arith.constant 4 : i32
    %dma_wait3A_309 = arith.constant 0 : i32
    %dma_wait3A_310 = arith.constant 0 : i32
    %dma_wait3A_311 = tpu.memref_slice %arg8[%dma_wait3A_307, %dma_wait3A_309, %dma_wait3A_310] : memref<7x128x128xf32, #tpu.memory_space<vmem>> -> memref<1x128x128xf32, #tpu.memory_space<vmem>>
    %dma_wait3A_312 = tpu.memref_squeeze %dma_wait3A_311 : memref<1x128x128xf32, #tpu.memory_space<vmem>> -> memref<128x128xf32, #tpu.memory_space<vmem>>
    %dma_wait3A_313 = arith.constant 0 : i32
    %dma_wait3A_314 = tpu.memref_slice %arg7[%dma_wait3A_306, %dma_wait3A_313] : memref<4x128xi32, #tpu.memory_space<vmem>> -> memref<1x128xi32, #tpu.memory_space<vmem>>
    %dma_wait3A_315 = tpu.memref_squeeze %dma_wait3A_314 : memref<1x128xi32, #tpu.memory_space<vmem>> -> memref<128xi32, #tpu.memory_space<vmem>>
    %dma_wait3A_316 = arith.constant 0 : i32
    %dma_wait3A_317 = arith.constant 0 : i32
    %dma_wait3A_318 = tpu.memref_slice %arg3[%dma_wait3A_316, %dma_wait3A_317] : memref<100000x128xf32, #tpu.memory_space<hbm>> -> memref<100000x128xf32, #tpu.memory_space<hbm>>
    %dma_wait3A_319 = tpu.memref_slice %arg9[%dma_wait3A_308] : memref<7x!tpu.dma_semaphore, #tpu.memory_space<semaphore_mem>> -> memref<1x!tpu.dma_semaphore, #tpu.memory_space<semaphore_mem>>
    %dma_wait3A_320 = tpu.memref_squeeze %dma_wait3A_319 : memref<1x!tpu.dma_semaphore, #tpu.memory_space<semaphore_mem>> -> memref<!tpu.dma_semaphore, #tpu.memory_space<semaphore_mem>>
    tpu.wait_indirect_dma semaphore(%dma_wait3A_320 : memref<!tpu.dma_semaphore, #tpu.memory_space<semaphore_mem>>) src(%dma_wait3A_318 : memref<100000x128xf32, #tpu.memory_space<hbm>>) dst(%dma_wait3A_312 : memref<128x128xf32, #tpu.memory_space<vmem>>)
    %add3A_321 = arith.constant 256 : i32
    %add3A_322 = arith.addi %mul3A_2, %add3A_321 : i32
    %dma_start3A_323 = arith.constant 4 : i32
    %dma_start3A_324 = arith.constant 4 : i32
    %dma_start3A_325 = arith.constant 0 : i32
    %dma_start3A_326 = arith.constant 0 : i32
    %dma_start3A_327 = tpu.memref_slice %arg8[%dma_start3A_323, %dma_start3A_325, %dma_start3A_326] : memref<7x128x128xf32, #tpu.memory_space<vmem>> -> memref<1x128x128xf32, #tpu.memory_space<vmem>>
    %dma_start3A_328 = tpu.memref_squeeze %dma_start3A_327 : memref<1x128x128xf32, #tpu.memory_space<vmem>> -> memref<128x128xf32, #tpu.memory_space<vmem>>
    %dma_start3A_329 = arith.constant 0 : i32
    %dma_start3A_330 = tpu.memref_slice %arg5[%add3A_322, %dma_start3A_329] : memref<16384x128xf32, #tpu.memory_space<hbm>> -> memref<128x128xf32, #tpu.memory_space<hbm>>
    %dma_start3A_331 = tpu.memref_slice %arg10[%dma_start3A_324] : memref<7x!tpu.dma_semaphore, #tpu.memory_space<semaphore_mem>> -> memref<1x!tpu.dma_semaphore, #tpu.memory_space<semaphore_mem>>
    %dma_start3A_332 = tpu.memref_squeeze %dma_start3A_331 : memref<1x!tpu.dma_semaphore, #tpu.memory_space<semaphore_mem>> -> memref<!tpu.dma_semaphore, #tpu.memory_space<semaphore_mem>>
    %dma_start3A_333 = arith.constant 0 : i32
    %dma_start3A_334 = tpu.memref_slice %arg5[%add3A_322, %dma_start3A_333] : memref<16384x128xf32, #tpu.memory_space<hbm>> -> memref<128x128xf32, #tpu.memory_space<hbm>>
    %dma_start3A_335 = arith.constant 0 : i32
    %dma_start3A_336 = arith.constant 0 : i32
    %dma_start3A_337 = tpu.memref_slice %arg8[%dma_start3A_323, %dma_start3A_335, %dma_start3A_336] : memref<7x128x128xf32, #tpu.memory_space<vmem>> -> memref<1x128x128xf32, #tpu.memory_space<vmem>>
    %dma_start3A_338 = tpu.memref_squeeze %dma_start3A_337 : memref<1x128x128xf32, #tpu.memory_space<vmem>> -> memref<128x128xf32, #tpu.memory_space<vmem>>
    tpu.enqueue_dma source(%dma_start3A_338 : memref<128x128xf32, #tpu.memory_space<vmem>>) target(%dma_start3A_334 : memref<128x128xf32, #tpu.memory_space<hbm>>) target_semaphore(%dma_start3A_332 : memref<!tpu.dma_semaphore, #tpu.memory_space<semaphore_mem>>)
    %dma_wait3A_339 = arith.constant 2 : i32
    %dma_wait3A_340 = arith.constant 5 : i32
    %dma_wait3A_341 = arith.constant 5 : i32
    %dma_wait3A_342 = arith.constant 0 : i32
    %dma_wait3A_343 = arith.constant 0 : i32
    %dma_wait3A_344 = tpu.memref_slice %arg8[%dma_wait3A_340, %dma_wait3A_342, %dma_wait3A_343] : memref<7x128x128xf32, #tpu.memory_space<vmem>> -> memref<1x128x128xf32, #tpu.memory_space<vmem>>
    %dma_wait3A_345 = tpu.memref_squeeze %dma_wait3A_344 : memref<1x128x128xf32, #tpu.memory_space<vmem>> -> memref<128x128xf32, #tpu.memory_space<vmem>>
    %dma_wait3A_346 = arith.constant 0 : i32
    %dma_wait3A_347 = tpu.memref_slice %arg7[%dma_wait3A_339, %dma_wait3A_346] : memref<4x128xi32, #tpu.memory_space<vmem>> -> memref<1x128xi32, #tpu.memory_space<vmem>>
    %dma_wait3A_348 = tpu.memref_squeeze %dma_wait3A_347 : memref<1x128xi32, #tpu.memory_space<vmem>> -> memref<128xi32, #tpu.memory_space<vmem>>
    %dma_wait3A_349 = arith.constant 0 : i32
    %dma_wait3A_350 = arith.constant 0 : i32
    %dma_wait3A_351 = tpu.memref_slice %arg4[%dma_wait3A_349, %dma_wait3A_350] : memref<100000x128xf32, #tpu.memory_space<hbm>> -> memref<100000x128xf32, #tpu.memory_space<hbm>>
    %dma_wait3A_352 = tpu.memref_slice %arg9[%dma_wait3A_341] : memref<7x!tpu.dma_semaphore, #tpu.memory_space<semaphore_mem>> -> memref<1x!tpu.dma_semaphore, #tpu.memory_space<semaphore_mem>>
    %dma_wait3A_353 = tpu.memref_squeeze %dma_wait3A_352 : memref<1x!tpu.dma_semaphore, #tpu.memory_space<semaphore_mem>> -> memref<!tpu.dma_semaphore, #tpu.memory_space<semaphore_mem>>
    tpu.wait_indirect_dma semaphore(%dma_wait3A_353 : memref<!tpu.dma_semaphore, #tpu.memory_space<semaphore_mem>>) src(%dma_wait3A_351 : memref<100000x128xf32, #tpu.memory_space<hbm>>) dst(%dma_wait3A_345 : memref<128x128xf32, #tpu.memory_space<vmem>>)
    %add3A_354 = arith.constant 256 : i32
    %add3A_355 = arith.addi %mul3A_2, %add3A_354 : i32
    %dma_start3A_356 = arith.constant 5 : i32
    %dma_start3A_357 = arith.constant 5 : i32
    %dma_start3A_358 = arith.constant 0 : i32
    %dma_start3A_359 = arith.constant 0 : i32
    %dma_start3A_360 = tpu.memref_slice %arg8[%dma_start3A_356, %dma_start3A_358, %dma_start3A_359] : memref<7x128x128xf32, #tpu.memory_space<vmem>> -> memref<1x128x128xf32, #tpu.memory_space<vmem>>
    %dma_start3A_361 = tpu.memref_squeeze %dma_start3A_360 : memref<1x128x128xf32, #tpu.memory_space<vmem>> -> memref<128x128xf32, #tpu.memory_space<vmem>>
    %dma_start3A_362 = arith.constant 0 : i32
    %dma_start3A_363 = tpu.memref_slice %arg6[%add3A_355, %dma_start3A_362] : memref<16384x128xf32, #tpu.memory_space<hbm>> -> memref<128x128xf32, #tpu.memory_space<hbm>>
    %dma_start3A_364 = tpu.memref_slice %arg10[%dma_start3A_357] : memref<7x!tpu.dma_semaphore, #tpu.memory_space<semaphore_mem>> -> memref<1x!tpu.dma_semaphore, #tpu.memory_space<semaphore_mem>>
    %dma_start3A_365 = tpu.memref_squeeze %dma_start3A_364 : memref<1x!tpu.dma_semaphore, #tpu.memory_space<semaphore_mem>> -> memref<!tpu.dma_semaphore, #tpu.memory_space<semaphore_mem>>
    %dma_start3A_366 = arith.constant 0 : i32
    %dma_start3A_367 = tpu.memref_slice %arg6[%add3A_355, %dma_start3A_366] : memref<16384x128xf32, #tpu.memory_space<hbm>> -> memref<128x128xf32, #tpu.memory_space<hbm>>
    %dma_start3A_368 = arith.constant 0 : i32
    %dma_start3A_369 = arith.constant 0 : i32
    %dma_start3A_370 = tpu.memref_slice %arg8[%dma_start3A_356, %dma_start3A_368, %dma_start3A_369] : memref<7x128x128xf32, #tpu.memory_space<vmem>> -> memref<1x128x128xf32, #tpu.memory_space<vmem>>
    %dma_start3A_371 = tpu.memref_squeeze %dma_start3A_370 : memref<1x128x128xf32, #tpu.memory_space<vmem>> -> memref<128x128xf32, #tpu.memory_space<vmem>>
    tpu.enqueue_dma source(%dma_start3A_371 : memref<128x128xf32, #tpu.memory_space<vmem>>) target(%dma_start3A_367 : memref<128x128xf32, #tpu.memory_space<hbm>>) target_semaphore(%dma_start3A_365 : memref<!tpu.dma_semaphore, #tpu.memory_space<semaphore_mem>>)
    %dma_wait3A_372 = arith.constant 3 : i32
    %dma_wait3A_373 = arith.constant 6 : i32
    %dma_wait3A_374 = arith.constant 6 : i32
    %dma_wait3A_375 = arith.constant 0 : i32
    %dma_wait3A_376 = arith.constant 0 : i32
    %dma_wait3A_377 = tpu.memref_slice %arg8[%dma_wait3A_373, %dma_wait3A_375, %dma_wait3A_376] : memref<7x128x128xf32, #tpu.memory_space<vmem>> -> memref<1x128x128xf32, #tpu.memory_space<vmem>>
    %dma_wait3A_378 = tpu.memref_squeeze %dma_wait3A_377 : memref<1x128x128xf32, #tpu.memory_space<vmem>> -> memref<128x128xf32, #tpu.memory_space<vmem>>
    %dma_wait3A_379 = arith.constant 0 : i32
    %dma_wait3A_380 = tpu.memref_slice %arg7[%dma_wait3A_372, %dma_wait3A_379] : memref<4x128xi32, #tpu.memory_space<vmem>> -> memref<1x128xi32, #tpu.memory_space<vmem>>
    %dma_wait3A_381 = tpu.memref_squeeze %dma_wait3A_380 : memref<1x128xi32, #tpu.memory_space<vmem>> -> memref<128xi32, #tpu.memory_space<vmem>>
    %dma_wait3A_382 = arith.constant 0 : i32
    %dma_wait3A_383 = arith.constant 0 : i32
    %dma_wait3A_384 = tpu.memref_slice %arg3[%dma_wait3A_382, %dma_wait3A_383] : memref<100000x128xf32, #tpu.memory_space<hbm>> -> memref<100000x128xf32, #tpu.memory_space<hbm>>
    %dma_wait3A_385 = tpu.memref_slice %arg9[%dma_wait3A_374] : memref<7x!tpu.dma_semaphore, #tpu.memory_space<semaphore_mem>> -> memref<1x!tpu.dma_semaphore, #tpu.memory_space<semaphore_mem>>
    %dma_wait3A_386 = tpu.memref_squeeze %dma_wait3A_385 : memref<1x!tpu.dma_semaphore, #tpu.memory_space<semaphore_mem>> -> memref<!tpu.dma_semaphore, #tpu.memory_space<semaphore_mem>>
    tpu.wait_indirect_dma semaphore(%dma_wait3A_386 : memref<!tpu.dma_semaphore, #tpu.memory_space<semaphore_mem>>) src(%dma_wait3A_384 : memref<100000x128xf32, #tpu.memory_space<hbm>>) dst(%dma_wait3A_378 : memref<128x128xf32, #tpu.memory_space<vmem>>)
    %add3A_387 = arith.constant 384 : i32
    %add3A_388 = arith.addi %mul3A_2, %add3A_387 : i32
    %dma_start3A_389 = arith.constant 6 : i32
    %dma_start3A_390 = arith.constant 6 : i32
    %dma_start3A_391 = arith.constant 0 : i32
    %dma_start3A_392 = arith.constant 0 : i32
    %dma_start3A_393 = tpu.memref_slice %arg8[%dma_start3A_389, %dma_start3A_391, %dma_start3A_392] : memref<7x128x128xf32, #tpu.memory_space<vmem>> -> memref<1x128x128xf32, #tpu.memory_space<vmem>>
    %dma_start3A_394 = tpu.memref_squeeze %dma_start3A_393 : memref<1x128x128xf32, #tpu.memory_space<vmem>> -> memref<128x128xf32, #tpu.memory_space<vmem>>
    %dma_start3A_395 = arith.constant 0 : i32
    %dma_start3A_396 = tpu.memref_slice %arg5[%add3A_388, %dma_start3A_395] : memref<16384x128xf32, #tpu.memory_space<hbm>> -> memref<128x128xf32, #tpu.memory_space<hbm>>
    %dma_start3A_397 = tpu.memref_slice %arg10[%dma_start3A_390] : memref<7x!tpu.dma_semaphore, #tpu.memory_space<semaphore_mem>> -> memref<1x!tpu.dma_semaphore, #tpu.memory_space<semaphore_mem>>
    %dma_start3A_398 = tpu.memref_squeeze %dma_start3A_397 : memref<1x!tpu.dma_semaphore, #tpu.memory_space<semaphore_mem>> -> memref<!tpu.dma_semaphore, #tpu.memory_space<semaphore_mem>>
    %dma_start3A_399 = arith.constant 0 : i32
    %dma_start3A_400 = tpu.memref_slice %arg5[%add3A_388, %dma_start3A_399] : memref<16384x128xf32, #tpu.memory_space<hbm>> -> memref<128x128xf32, #tpu.memory_space<hbm>>
    %dma_start3A_401 = arith.constant 0 : i32
    %dma_start3A_402 = arith.constant 0 : i32
    %dma_start3A_403 = tpu.memref_slice %arg8[%dma_start3A_389, %dma_start3A_401, %dma_start3A_402] : memref<7x128x128xf32, #tpu.memory_space<vmem>> -> memref<1x128x128xf32, #tpu.memory_space<vmem>>
    %dma_start3A_404 = tpu.memref_squeeze %dma_start3A_403 : memref<1x128x128xf32, #tpu.memory_space<vmem>> -> memref<128x128xf32, #tpu.memory_space<vmem>>
    tpu.enqueue_dma source(%dma_start3A_404 : memref<128x128xf32, #tpu.memory_space<vmem>>) target(%dma_start3A_400 : memref<128x128xf32, #tpu.memory_space<hbm>>) target_semaphore(%dma_start3A_398 : memref<!tpu.dma_semaphore, #tpu.memory_space<semaphore_mem>>)
    %dma_wait3A_405 = arith.constant 3 : i32
    %dma_wait3A_406 = arith.constant 0 : i32
    %dma_wait3A_407 = arith.constant 0 : i32
    %dma_wait3A_408 = arith.constant 0 : i32
    %dma_wait3A_409 = arith.constant 0 : i32
    %dma_wait3A_410 = tpu.memref_slice %arg8[%dma_wait3A_406, %dma_wait3A_408, %dma_wait3A_409] : memref<7x128x128xf32, #tpu.memory_space<vmem>> -> memref<1x128x128xf32, #tpu.memory_space<vmem>>
    %dma_wait3A_411 = tpu.memref_squeeze %dma_wait3A_410 : memref<1x128x128xf32, #tpu.memory_space<vmem>> -> memref<128x128xf32, #tpu.memory_space<vmem>>
    %dma_wait3A_412 = arith.constant 0 : i32
    %dma_wait3A_413 = arith.constant 0 : i32
    %dma_wait3A_414 = tpu.memref_slice %dma_wait3A_411[%dma_wait3A_412, %dma_wait3A_413] : memref<128x128xf32, #tpu.memory_space<vmem>> -> memref<64x128xf32, #tpu.memory_space<vmem>>
    %dma_wait3A_415 = arith.constant 0 : i32
    %dma_wait3A_416 = tpu.memref_slice %arg7[%dma_wait3A_405, %dma_wait3A_415] : memref<4x128xi32, #tpu.memory_space<vmem>> -> memref<1x64xi32, #tpu.memory_space<vmem>>
    %dma_wait3A_417 = tpu.memref_squeeze %dma_wait3A_416 : memref<1x64xi32, #tpu.memory_space<vmem>> -> memref<64xi32, #tpu.memory_space<vmem>>
    %dma_wait3A_418 = arith.constant 0 : i32
    %dma_wait3A_419 = arith.constant 0 : i32
    %dma_wait3A_420 = tpu.memref_slice %arg4[%dma_wait3A_418, %dma_wait3A_419] : memref<100000x128xf32, #tpu.memory_space<hbm>> -> memref<100000x128xf32, #tpu.memory_space<hbm>>
    %dma_wait3A_421 = tpu.memref_slice %arg9[%dma_wait3A_407] : memref<7x!tpu.dma_semaphore, #tpu.memory_space<semaphore_mem>> -> memref<1x!tpu.dma_semaphore, #tpu.memory_space<semaphore_mem>>
    %dma_wait3A_422 = tpu.memref_squeeze %dma_wait3A_421 : memref<1x!tpu.dma_semaphore, #tpu.memory_space<semaphore_mem>> -> memref<!tpu.dma_semaphore, #tpu.memory_space<semaphore_mem>>
    tpu.wait_indirect_dma semaphore(%dma_wait3A_422 : memref<!tpu.dma_semaphore, #tpu.memory_space<semaphore_mem>>) src(%dma_wait3A_420 : memref<100000x128xf32, #tpu.memory_space<hbm>>) dst(%dma_wait3A_414 : memref<64x128xf32, #tpu.memory_space<vmem>>)
    %add3A_423 = arith.constant 384 : i32
    %add3A_424 = arith.addi %mul3A_2, %add3A_423 : i32
    %dma_start3A_425 = arith.constant 0 : i32
    %dma_start3A_426 = arith.constant 0 : i32
    %dma_start3A_427 = arith.constant 0 : i32
    %dma_start3A_428 = arith.constant 0 : i32
    %dma_start3A_429 = tpu.memref_slice %arg8[%dma_start3A_425, %dma_start3A_427, %dma_start3A_428] : memref<7x128x128xf32, #tpu.memory_space<vmem>> -> memref<1x128x128xf32, #tpu.memory_space<vmem>>
    %dma_start3A_430 = tpu.memref_squeeze %dma_start3A_429 : memref<1x128x128xf32, #tpu.memory_space<vmem>> -> memref<128x128xf32, #tpu.memory_space<vmem>>
    %dma_start3A_431 = arith.constant 0 : i32
    %dma_start3A_432 = arith.constant 0 : i32
    %dma_start3A_433 = tpu.memref_slice %dma_start3A_430[%dma_start3A_431, %dma_start3A_432] : memref<128x128xf32, #tpu.memory_space<vmem>> -> memref<64x128xf32, #tpu.memory_space<vmem>>
    %dma_start3A_434 = arith.constant 0 : i32
    %dma_start3A_435 = tpu.memref_slice %arg6[%add3A_424, %dma_start3A_434] : memref<16384x128xf32, #tpu.memory_space<hbm>> -> memref<64x128xf32, #tpu.memory_space<hbm>>
    %dma_start3A_436 = tpu.memref_slice %arg10[%dma_start3A_426] : memref<7x!tpu.dma_semaphore, #tpu.memory_space<semaphore_mem>> -> memref<1x!tpu.dma_semaphore, #tpu.memory_space<semaphore_mem>>
    %dma_start3A_437 = tpu.memref_squeeze %dma_start3A_436 : memref<1x!tpu.dma_semaphore, #tpu.memory_space<semaphore_mem>> -> memref<!tpu.dma_semaphore, #tpu.memory_space<semaphore_mem>>
    %dma_start3A_438 = arith.constant 0 : i32
    %dma_start3A_439 = tpu.memref_slice %arg6[%add3A_424, %dma_start3A_438] : memref<16384x128xf32, #tpu.memory_space<hbm>> -> memref<64x128xf32, #tpu.memory_space<hbm>>
    %dma_start3A_440 = arith.constant 0 : i32
    %dma_start3A_441 = arith.constant 0 : i32
    %dma_start3A_442 = tpu.memref_slice %arg8[%dma_start3A_425, %dma_start3A_440, %dma_start3A_441] : memref<7x128x128xf32, #tpu.memory_space<vmem>> -> memref<1x128x128xf32, #tpu.memory_space<vmem>>
    %dma_start3A_443 = tpu.memref_squeeze %dma_start3A_442 : memref<1x128x128xf32, #tpu.memory_space<vmem>> -> memref<128x128xf32, #tpu.memory_space<vmem>>
    %dma_start3A_444 = arith.constant 0 : i32
    %dma_start3A_445 = arith.constant 0 : i32
    %dma_start3A_446 = tpu.memref_slice %dma_start3A_443[%dma_start3A_444, %dma_start3A_445] : memref<128x128xf32, #tpu.memory_space<vmem>> -> memref<64x128xf32, #tpu.memory_space<vmem>>
    tpu.enqueue_dma source(%dma_start3A_446 : memref<64x128xf32, #tpu.memory_space<vmem>>) target(%dma_start3A_439 : memref<64x128xf32, #tpu.memory_space<hbm>>) target_semaphore(%dma_start3A_437 : memref<!tpu.dma_semaphore, #tpu.memory_space<semaphore_mem>>)
    %dma_wait3A_447 = arith.constant 3 : i32
    %dma_wait3A_448 = arith.constant 1 : i32
    %dma_wait3A_449 = arith.constant 1 : i32
    %dma_wait3A_450 = arith.constant 0 : i32
    %dma_wait3A_451 = arith.constant 0 : i32
    %dma_wait3A_452 = tpu.memref_slice %arg8[%dma_wait3A_448, %dma_wait3A_450, %dma_wait3A_451] : memref<7x128x128xf32, #tpu.memory_space<vmem>> -> memref<1x128x128xf32, #tpu.memory_space<vmem>>
    %dma_wait3A_453 = tpu.memref_squeeze %dma_wait3A_452 : memref<1x128x128xf32, #tpu.memory_space<vmem>> -> memref<128x128xf32, #tpu.memory_space<vmem>>
    %dma_wait3A_454 = arith.constant 0 : i32
    %dma_wait3A_455 = arith.constant 0 : i32
    %dma_wait3A_456 = tpu.memref_slice %dma_wait3A_453[%dma_wait3A_454, %dma_wait3A_455] : memref<128x128xf32, #tpu.memory_space<vmem>> -> memref<64x128xf32, #tpu.memory_space<vmem>>
    %dma_wait3A_457 = arith.constant 64 : i32
    %dma_wait3A_458 = tpu.memref_slice %arg7[%dma_wait3A_447, %dma_wait3A_457] : memref<4x128xi32, #tpu.memory_space<vmem>> -> memref<1x64xi32, #tpu.memory_space<vmem>>
    %dma_wait3A_459 = tpu.memref_squeeze %dma_wait3A_458 : memref<1x64xi32, #tpu.memory_space<vmem>> -> memref<64xi32, #tpu.memory_space<vmem>>
    %dma_wait3A_460 = arith.constant 0 : i32
    %dma_wait3A_461 = arith.constant 0 : i32
    %dma_wait3A_462 = tpu.memref_slice %arg4[%dma_wait3A_460, %dma_wait3A_461] : memref<100000x128xf32, #tpu.memory_space<hbm>> -> memref<100000x128xf32, #tpu.memory_space<hbm>>
    %dma_wait3A_463 = tpu.memref_slice %arg9[%dma_wait3A_449] : memref<7x!tpu.dma_semaphore, #tpu.memory_space<semaphore_mem>> -> memref<1x!tpu.dma_semaphore, #tpu.memory_space<semaphore_mem>>
    %dma_wait3A_464 = tpu.memref_squeeze %dma_wait3A_463 : memref<1x!tpu.dma_semaphore, #tpu.memory_space<semaphore_mem>> -> memref<!tpu.dma_semaphore, #tpu.memory_space<semaphore_mem>>
    tpu.wait_indirect_dma semaphore(%dma_wait3A_464 : memref<!tpu.dma_semaphore, #tpu.memory_space<semaphore_mem>>) src(%dma_wait3A_462 : memref<100000x128xf32, #tpu.memory_space<hbm>>) dst(%dma_wait3A_456 : memref<64x128xf32, #tpu.memory_space<vmem>>)
    %add3A_465 = arith.constant 384 : i32
    %add3A_466 = arith.addi %mul3A_2, %add3A_465 : i32
    %add3A_467 = arith.constant 64 : i32
    %add3A_468 = arith.addi %add3A_466, %add3A_467 : i32
    %dma_start3A_469 = arith.constant 1 : i32
    %dma_start3A_470 = arith.constant 1 : i32
    %dma_start3A_471 = arith.constant 0 : i32
    %dma_start3A_472 = arith.constant 0 : i32
    %dma_start3A_473 = tpu.memref_slice %arg8[%dma_start3A_469, %dma_start3A_471, %dma_start3A_472] : memref<7x128x128xf32, #tpu.memory_space<vmem>> -> memref<1x128x128xf32, #tpu.memory_space<vmem>>
    %dma_start3A_474 = tpu.memref_squeeze %dma_start3A_473 : memref<1x128x128xf32, #tpu.memory_space<vmem>> -> memref<128x128xf32, #tpu.memory_space<vmem>>
    %dma_start3A_475 = arith.constant 0 : i32
    %dma_start3A_476 = arith.constant 0 : i32
    %dma_start3A_477 = tpu.memref_slice %dma_start3A_474[%dma_start3A_475, %dma_start3A_476] : memref<128x128xf32, #tpu.memory_space<vmem>> -> memref<64x128xf32, #tpu.memory_space<vmem>>
    %dma_start3A_478 = arith.constant 0 : i32
    %dma_start3A_479 = tpu.memref_slice %arg6[%add3A_468, %dma_start3A_478] : memref<16384x128xf32, #tpu.memory_space<hbm>> -> memref<64x128xf32, #tpu.memory_space<hbm>>
    %dma_start3A_480 = tpu.memref_slice %arg10[%dma_start3A_470] : memref<7x!tpu.dma_semaphore, #tpu.memory_space<semaphore_mem>> -> memref<1x!tpu.dma_semaphore, #tpu.memory_space<semaphore_mem>>
    %dma_start3A_481 = tpu.memref_squeeze %dma_start3A_480 : memref<1x!tpu.dma_semaphore, #tpu.memory_space<semaphore_mem>> -> memref<!tpu.dma_semaphore, #tpu.memory_space<semaphore_mem>>
    %dma_start3A_482 = arith.constant 0 : i32
    %dma_start3A_483 = tpu.memref_slice %arg6[%add3A_468, %dma_start3A_482] : memref<16384x128xf32, #tpu.memory_space<hbm>> -> memref<64x128xf32, #tpu.memory_space<hbm>>
    %dma_start3A_484 = arith.constant 0 : i32
    %dma_start3A_485 = arith.constant 0 : i32
    %dma_start3A_486 = tpu.memref_slice %arg8[%dma_start3A_469, %dma_start3A_484, %dma_start3A_485] : memref<7x128x128xf32, #tpu.memory_space<vmem>> -> memref<1x128x128xf32, #tpu.memory_space<vmem>>
    %dma_start3A_487 = tpu.memref_squeeze %dma_start3A_486 : memref<1x128x128xf32, #tpu.memory_space<vmem>> -> memref<128x128xf32, #tpu.memory_space<vmem>>
    %dma_start3A_488 = arith.constant 0 : i32
    %dma_start3A_489 = arith.constant 0 : i32
    %dma_start3A_490 = tpu.memref_slice %dma_start3A_487[%dma_start3A_488, %dma_start3A_489] : memref<128x128xf32, #tpu.memory_space<vmem>> -> memref<64x128xf32, #tpu.memory_space<vmem>>
    tpu.enqueue_dma source(%dma_start3A_490 : memref<64x128xf32, #tpu.memory_space<vmem>>) target(%dma_start3A_483 : memref<64x128xf32, #tpu.memory_space<hbm>>) target_semaphore(%dma_start3A_481 : memref<!tpu.dma_semaphore, #tpu.memory_space<semaphore_mem>>)
    %dma_wait3A_491 = arith.constant 2 : i32
    %dma_wait3A_492 = arith.constant 2 : i32
    %dma_wait3A_493 = arith.constant 0 : i32
    %dma_wait3A_494 = arith.constant 0 : i32
    %dma_wait3A_495 = tpu.memref_slice %arg8[%dma_wait3A_491, %dma_wait3A_493, %dma_wait3A_494] : memref<7x128x128xf32, #tpu.memory_space<vmem>> -> memref<1x128x128xf32, #tpu.memory_space<vmem>>
    %dma_wait3A_496 = tpu.memref_squeeze %dma_wait3A_495 : memref<1x128x128xf32, #tpu.memory_space<vmem>> -> memref<128x128xf32, #tpu.memory_space<vmem>>
    %dma_wait3A_497 = arith.constant 0 : i32
    %dma_wait3A_498 = tpu.memref_slice %arg5[%add3A_256, %dma_wait3A_497] : memref<16384x128xf32, #tpu.memory_space<hbm>> -> memref<128x128xf32, #tpu.memory_space<hbm>>
    %dma_wait3A_499 = tpu.memref_slice %arg10[%dma_wait3A_492] : memref<7x!tpu.dma_semaphore, #tpu.memory_space<semaphore_mem>> -> memref<1x!tpu.dma_semaphore, #tpu.memory_space<semaphore_mem>>
    %dma_wait3A_500 = tpu.memref_squeeze %dma_wait3A_499 : memref<1x!tpu.dma_semaphore, #tpu.memory_space<semaphore_mem>> -> memref<!tpu.dma_semaphore, #tpu.memory_space<semaphore_mem>>
    %dma_wait3A_501 = arith.constant 0 : i32
    %dma_wait3A_502 = tpu.memref_slice %arg5[%add3A_256, %dma_wait3A_501] : memref<16384x128xf32, #tpu.memory_space<hbm>> -> memref<128x128xf32, #tpu.memory_space<hbm>>
    %dma_wait3A_503 = arith.constant 0 : i32
    %dma_wait3A_504 = arith.constant 0 : i32
    %dma_wait3A_505 = tpu.memref_slice %arg8[%dma_wait3A_491, %dma_wait3A_503, %dma_wait3A_504] : memref<7x128x128xf32, #tpu.memory_space<vmem>> -> memref<1x128x128xf32, #tpu.memory_space<vmem>>
    %dma_wait3A_506 = tpu.memref_squeeze %dma_wait3A_505 : memref<1x128x128xf32, #tpu.memory_space<vmem>> -> memref<128x128xf32, #tpu.memory_space<vmem>>
    tpu.wait_dma2 semaphore(%dma_wait3A_500 : memref<!tpu.dma_semaphore, #tpu.memory_space<semaphore_mem>>) src(%dma_wait3A_506 : memref<128x128xf32, #tpu.memory_space<vmem>>) dst(%dma_wait3A_502 : memref<128x128xf32, #tpu.memory_space<hbm>>)
    %dma_wait3A_507 = arith.constant 3 : i32
    %dma_wait3A_508 = arith.constant 3 : i32
    %dma_wait3A_509 = arith.constant 0 : i32
    %dma_wait3A_510 = arith.constant 0 : i32
    %dma_wait3A_511 = tpu.memref_slice %arg8[%dma_wait3A_507, %dma_wait3A_509, %dma_wait3A_510] : memref<7x128x128xf32, #tpu.memory_space<vmem>> -> memref<1x128x128xf32, #tpu.memory_space<vmem>>
    %dma_wait3A_512 = tpu.memref_squeeze %dma_wait3A_511 : memref<1x128x128xf32, #tpu.memory_space<vmem>> -> memref<128x128xf32, #tpu.memory_space<vmem>>
    %dma_wait3A_513 = arith.constant 0 : i32
    %dma_wait3A_514 = tpu.memref_slice %arg6[%add3A_289, %dma_wait3A_513] : memref<16384x128xf32, #tpu.memory_space<hbm>> -> memref<128x128xf32, #tpu.memory_space<hbm>>
    %dma_wait3A_515 = tpu.memref_slice %arg10[%dma_wait3A_508] : memref<7x!tpu.dma_semaphore, #tpu.memory_space<semaphore_mem>> -> memref<1x!tpu.dma_semaphore, #tpu.memory_space<semaphore_mem>>
    %dma_wait3A_516 = tpu.memref_squeeze %dma_wait3A_515 : memref<1x!tpu.dma_semaphore, #tpu.memory_space<semaphore_mem>> -> memref<!tpu.dma_semaphore, #tpu.memory_space<semaphore_mem>>
    %dma_wait3A_517 = arith.constant 0 : i32
    %dma_wait3A_518 = tpu.memref_slice %arg6[%add3A_289, %dma_wait3A_517] : memref<16384x128xf32, #tpu.memory_space<hbm>> -> memref<128x128xf32, #tpu.memory_space<hbm>>
    %dma_wait3A_519 = arith.constant 0 : i32
    %dma_wait3A_520 = arith.constant 0 : i32
    %dma_wait3A_521 = tpu.memref_slice %arg8[%dma_wait3A_507, %dma_wait3A_519, %dma_wait3A_520] : memref<7x128x128xf32, #tpu.memory_space<vmem>> -> memref<1x128x128xf32, #tpu.memory_space<vmem>>
    %dma_wait3A_522 = tpu.memref_squeeze %dma_wait3A_521 : memref<1x128x128xf32, #tpu.memory_space<vmem>> -> memref<128x128xf32, #tpu.memory_space<vmem>>
    tpu.wait_dma2 semaphore(%dma_wait3A_516 : memref<!tpu.dma_semaphore, #tpu.memory_space<semaphore_mem>>) src(%dma_wait3A_522 : memref<128x128xf32, #tpu.memory_space<vmem>>) dst(%dma_wait3A_518 : memref<128x128xf32, #tpu.memory_space<hbm>>)
    %dma_wait3A_523 = arith.constant 4 : i32
    %dma_wait3A_524 = arith.constant 4 : i32
    %dma_wait3A_525 = arith.constant 0 : i32
    %dma_wait3A_526 = arith.constant 0 : i32
    %dma_wait3A_527 = tpu.memref_slice %arg8[%dma_wait3A_523, %dma_wait3A_525, %dma_wait3A_526] : memref<7x128x128xf32, #tpu.memory_space<vmem>> -> memref<1x128x128xf32, #tpu.memory_space<vmem>>
    %dma_wait3A_528 = tpu.memref_squeeze %dma_wait3A_527 : memref<1x128x128xf32, #tpu.memory_space<vmem>> -> memref<128x128xf32, #tpu.memory_space<vmem>>
    %dma_wait3A_529 = arith.constant 0 : i32
    %dma_wait3A_530 = tpu.memref_slice %arg5[%add3A_322, %dma_wait3A_529] : memref<16384x128xf32, #tpu.memory_space<hbm>> -> memref<128x128xf32, #tpu.memory_space<hbm>>
    %dma_wait3A_531 = tpu.memref_slice %arg10[%dma_wait3A_524] : memref<7x!tpu.dma_semaphore, #tpu.memory_space<semaphore_mem>> -> memref<1x!tpu.dma_semaphore, #tpu.memory_space<semaphore_mem>>
    %dma_wait3A_532 = tpu.memref_squeeze %dma_wait3A_531 : memref<1x!tpu.dma_semaphore, #tpu.memory_space<semaphore_mem>> -> memref<!tpu.dma_semaphore, #tpu.memory_space<semaphore_mem>>
    %dma_wait3A_533 = arith.constant 0 : i32
    %dma_wait3A_534 = tpu.memref_slice %arg5[%add3A_322, %dma_wait3A_533] : memref<16384x128xf32, #tpu.memory_space<hbm>> -> memref<128x128xf32, #tpu.memory_space<hbm>>
    %dma_wait3A_535 = arith.constant 0 : i32
    %dma_wait3A_536 = arith.constant 0 : i32
    %dma_wait3A_537 = tpu.memref_slice %arg8[%dma_wait3A_523, %dma_wait3A_535, %dma_wait3A_536] : memref<7x128x128xf32, #tpu.memory_space<vmem>> -> memref<1x128x128xf32, #tpu.memory_space<vmem>>
    %dma_wait3A_538 = tpu.memref_squeeze %dma_wait3A_537 : memref<1x128x128xf32, #tpu.memory_space<vmem>> -> memref<128x128xf32, #tpu.memory_space<vmem>>
    tpu.wait_dma2 semaphore(%dma_wait3A_532 : memref<!tpu.dma_semaphore, #tpu.memory_space<semaphore_mem>>) src(%dma_wait3A_538 : memref<128x128xf32, #tpu.memory_space<vmem>>) dst(%dma_wait3A_534 : memref<128x128xf32, #tpu.memory_space<hbm>>)
    %dma_wait3A_539 = arith.constant 5 : i32
    %dma_wait3A_540 = arith.constant 5 : i32
    %dma_wait3A_541 = arith.constant 0 : i32
    %dma_wait3A_542 = arith.constant 0 : i32
    %dma_wait3A_543 = tpu.memref_slice %arg8[%dma_wait3A_539, %dma_wait3A_541, %dma_wait3A_542] : memref<7x128x128xf32, #tpu.memory_space<vmem>> -> memref<1x128x128xf32, #tpu.memory_space<vmem>>
    %dma_wait3A_544 = tpu.memref_squeeze %dma_wait3A_543 : memref<1x128x128xf32, #tpu.memory_space<vmem>> -> memref<128x128xf32, #tpu.memory_space<vmem>>
    %dma_wait3A_545 = arith.constant 0 : i32
    %dma_wait3A_546 = tpu.memref_slice %arg6[%add3A_355, %dma_wait3A_545] : memref<16384x128xf32, #tpu.memory_space<hbm>> -> memref<128x128xf32, #tpu.memory_space<hbm>>
    %dma_wait3A_547 = tpu.memref_slice %arg10[%dma_wait3A_540] : memref<7x!tpu.dma_semaphore, #tpu.memory_space<semaphore_mem>> -> memref<1x!tpu.dma_semaphore, #tpu.memory_space<semaphore_mem>>
    %dma_wait3A_548 = tpu.memref_squeeze %dma_wait3A_547 : memref<1x!tpu.dma_semaphore, #tpu.memory_space<semaphore_mem>> -> memref<!tpu.dma_semaphore, #tpu.memory_space<semaphore_mem>>
    %dma_wait3A_549 = arith.constant 0 : i32
    %dma_wait3A_550 = tpu.memref_slice %arg6[%add3A_355, %dma_wait3A_549] : memref<16384x128xf32, #tpu.memory_space<hbm>> -> memref<128x128xf32, #tpu.memory_space<hbm>>
    %dma_wait3A_551 = arith.constant 0 : i32
    %dma_wait3A_552 = arith.constant 0 : i32
    %dma_wait3A_553 = tpu.memref_slice %arg8[%dma_wait3A_539, %dma_wait3A_551, %dma_wait3A_552] : memref<7x128x128xf32, #tpu.memory_space<vmem>> -> memref<1x128x128xf32, #tpu.memory_space<vmem>>
    %dma_wait3A_554 = tpu.memref_squeeze %dma_wait3A_553 : memref<1x128x128xf32, #tpu.memory_space<vmem>> -> memref<128x128xf32, #tpu.memory_space<vmem>>
    tpu.wait_dma2 semaphore(%dma_wait3A_548 : memref<!tpu.dma_semaphore, #tpu.memory_space<semaphore_mem>>) src(%dma_wait3A_554 : memref<128x128xf32, #tpu.memory_space<vmem>>) dst(%dma_wait3A_550 : memref<128x128xf32, #tpu.memory_space<hbm>>)
    %dma_wait3A_555 = arith.constant 6 : i32
    %dma_wait3A_556 = arith.constant 6 : i32
    %dma_wait3A_557 = arith.constant 0 : i32
    %dma_wait3A_558 = arith.constant 0 : i32
    %dma_wait3A_559 = tpu.memref_slice %arg8[%dma_wait3A_555, %dma_wait3A_557, %dma_wait3A_558] : memref<7x128x128xf32, #tpu.memory_space<vmem>> -> memref<1x128x128xf32, #tpu.memory_space<vmem>>
    %dma_wait3A_560 = tpu.memref_squeeze %dma_wait3A_559 : memref<1x128x128xf32, #tpu.memory_space<vmem>> -> memref<128x128xf32, #tpu.memory_space<vmem>>
    %dma_wait3A_561 = arith.constant 0 : i32
    %dma_wait3A_562 = tpu.memref_slice %arg5[%add3A_388, %dma_wait3A_561] : memref<16384x128xf32, #tpu.memory_space<hbm>> -> memref<128x128xf32, #tpu.memory_space<hbm>>
    %dma_wait3A_563 = tpu.memref_slice %arg10[%dma_wait3A_556] : memref<7x!tpu.dma_semaphore, #tpu.memory_space<semaphore_mem>> -> memref<1x!tpu.dma_semaphore, #tpu.memory_space<semaphore_mem>>
    %dma_wait3A_564 = tpu.memref_squeeze %dma_wait3A_563 : memref<1x!tpu.dma_semaphore, #tpu.memory_space<semaphore_mem>> -> memref<!tpu.dma_semaphore, #tpu.memory_space<semaphore_mem>>
    %dma_wait3A_565 = arith.constant 0 : i32
    %dma_wait3A_566 = tpu.memref_slice %arg5[%add3A_388, %dma_wait3A_565] : memref<16384x128xf32, #tpu.memory_space<hbm>> -> memref<128x128xf32, #tpu.memory_space<hbm>>
    %dma_wait3A_567 = arith.constant 0 : i32
    %dma_wait3A_568 = arith.constant 0 : i32
    %dma_wait3A_569 = tpu.memref_slice %arg8[%dma_wait3A_555, %dma_wait3A_567, %dma_wait3A_568] : memref<7x128x128xf32, #tpu.memory_space<vmem>> -> memref<1x128x128xf32, #tpu.memory_space<vmem>>
    %dma_wait3A_570 = tpu.memref_squeeze %dma_wait3A_569 : memref<1x128x128xf32, #tpu.memory_space<vmem>> -> memref<128x128xf32, #tpu.memory_space<vmem>>
    tpu.wait_dma2 semaphore(%dma_wait3A_564 : memref<!tpu.dma_semaphore, #tpu.memory_space<semaphore_mem>>) src(%dma_wait3A_570 : memref<128x128xf32, #tpu.memory_space<vmem>>) dst(%dma_wait3A_566 : memref<128x128xf32, #tpu.memory_space<hbm>>)
    %dma_wait3A_571 = arith.constant 0 : i32
    %dma_wait3A_572 = arith.constant 0 : i32
    %dma_wait3A_573 = arith.constant 0 : i32
    %dma_wait3A_574 = arith.constant 0 : i32
    %dma_wait3A_575 = tpu.memref_slice %arg8[%dma_wait3A_571, %dma_wait3A_573, %dma_wait3A_574] : memref<7x128x128xf32, #tpu.memory_space<vmem>> -> memref<1x128x128xf32, #tpu.memory_space<vmem>>
    %dma_wait3A_576 = tpu.memref_squeeze %dma_wait3A_575 : memref<1x128x128xf32, #tpu.memory_space<vmem>> -> memref<128x128xf32, #tpu.memory_space<vmem>>
    %dma_wait3A_577 = arith.constant 0 : i32
    %dma_wait3A_578 = arith.constant 0 : i32
    %dma_wait3A_579 = tpu.memref_slice %dma_wait3A_576[%dma_wait3A_577, %dma_wait3A_578] : memref<128x128xf32, #tpu.memory_space<vmem>> -> memref<64x128xf32, #tpu.memory_space<vmem>>
    %dma_wait3A_580 = arith.constant 0 : i32
    %dma_wait3A_581 = tpu.memref_slice %arg6[%add3A_424, %dma_wait3A_580] : memref<16384x128xf32, #tpu.memory_space<hbm>> -> memref<64x128xf32, #tpu.memory_space<hbm>>
    %dma_wait3A_582 = tpu.memref_slice %arg10[%dma_wait3A_572] : memref<7x!tpu.dma_semaphore, #tpu.memory_space<semaphore_mem>> -> memref<1x!tpu.dma_semaphore, #tpu.memory_space<semaphore_mem>>
    %dma_wait3A_583 = tpu.memref_squeeze %dma_wait3A_582 : memref<1x!tpu.dma_semaphore, #tpu.memory_space<semaphore_mem>> -> memref<!tpu.dma_semaphore, #tpu.memory_space<semaphore_mem>>
    %dma_wait3A_584 = arith.constant 0 : i32
    %dma_wait3A_585 = tpu.memref_slice %arg6[%add3A_424, %dma_wait3A_584] : memref<16384x128xf32, #tpu.memory_space<hbm>> -> memref<64x128xf32, #tpu.memory_space<hbm>>
    %dma_wait3A_586 = arith.constant 0 : i32
    %dma_wait3A_587 = arith.constant 0 : i32
    %dma_wait3A_588 = tpu.memref_slice %arg8[%dma_wait3A_571, %dma_wait3A_586, %dma_wait3A_587] : memref<7x128x128xf32, #tpu.memory_space<vmem>> -> memref<1x128x128xf32, #tpu.memory_space<vmem>>
    %dma_wait3A_589 = tpu.memref_squeeze %dma_wait3A_588 : memref<1x128x128xf32, #tpu.memory_space<vmem>> -> memref<128x128xf32, #tpu.memory_space<vmem>>
    %dma_wait3A_590 = arith.constant 0 : i32
    %dma_wait3A_591 = arith.constant 0 : i32
    %dma_wait3A_592 = tpu.memref_slice %dma_wait3A_589[%dma_wait3A_590, %dma_wait3A_591] : memref<128x128xf32, #tpu.memory_space<vmem>> -> memref<64x128xf32, #tpu.memory_space<vmem>>
    tpu.wait_dma2 semaphore(%dma_wait3A_583 : memref<!tpu.dma_semaphore, #tpu.memory_space<semaphore_mem>>) src(%dma_wait3A_592 : memref<64x128xf32, #tpu.memory_space<vmem>>) dst(%dma_wait3A_585 : memref<64x128xf32, #tpu.memory_space<hbm>>)
    %dma_wait3A_593 = arith.constant 1 : i32
    %dma_wait3A_594 = arith.constant 1 : i32
    %dma_wait3A_595 = arith.constant 0 : i32
    %dma_wait3A_596 = arith.constant 0 : i32
    %dma_wait3A_597 = tpu.memref_slice %arg8[%dma_wait3A_593, %dma_wait3A_595, %dma_wait3A_596] : memref<7x128x128xf32, #tpu.memory_space<vmem>> -> memref<1x128x128xf32, #tpu.memory_space<vmem>>
    %dma_wait3A_598 = tpu.memref_squeeze %dma_wait3A_597 : memref<1x128x128xf32, #tpu.memory_space<vmem>> -> memref<128x128xf32, #tpu.memory_space<vmem>>
    %dma_wait3A_599 = arith.constant 0 : i32
    %dma_wait3A_600 = arith.constant 0 : i32
    %dma_wait3A_601 = tpu.memref_slice %dma_wait3A_598[%dma_wait3A_599, %dma_wait3A_600] : memref<128x128xf32, #tpu.memory_space<vmem>> -> memref<64x128xf32, #tpu.memory_space<vmem>>
    %dma_wait3A_602 = arith.constant 0 : i32
    %dma_wait3A_603 = tpu.memref_slice %arg6[%add3A_468, %dma_wait3A_602] : memref<16384x128xf32, #tpu.memory_space<hbm>> -> memref<64x128xf32, #tpu.memory_space<hbm>>
    %dma_wait3A_604 = tpu.memref_slice %arg10[%dma_wait3A_594] : memref<7x!tpu.dma_semaphore, #tpu.memory_space<semaphore_mem>> -> memref<1x!tpu.dma_semaphore, #tpu.memory_space<semaphore_mem>>
    %dma_wait3A_605 = tpu.memref_squeeze %dma_wait3A_604 : memref<1x!tpu.dma_semaphore, #tpu.memory_space<semaphore_mem>> -> memref<!tpu.dma_semaphore, #tpu.memory_space<semaphore_mem>>
    %dma_wait3A_606 = arith.constant 0 : i32
    %dma_wait3A_607 = tpu.memref_slice %arg6[%add3A_468, %dma_wait3A_606] : memref<16384x128xf32, #tpu.memory_space<hbm>> -> memref<64x128xf32, #tpu.memory_space<hbm>>
    %dma_wait3A_608 = arith.constant 0 : i32
    %dma_wait3A_609 = arith.constant 0 : i32
    %dma_wait3A_610 = tpu.memref_slice %arg8[%dma_wait3A_593, %dma_wait3A_608, %dma_wait3A_609] : memref<7x128x128xf32, #tpu.memory_space<vmem>> -> memref<1x128x128xf32, #tpu.memory_space<vmem>>
    %dma_wait3A_611 = tpu.memref_squeeze %dma_wait3A_610 : memref<1x128x128xf32, #tpu.memory_space<vmem>> -> memref<128x128xf32, #tpu.memory_space<vmem>>
    %dma_wait3A_612 = arith.constant 0 : i32
    %dma_wait3A_613 = arith.constant 0 : i32
    %dma_wait3A_614 = tpu.memref_slice %dma_wait3A_611[%dma_wait3A_612, %dma_wait3A_613] : memref<128x128xf32, #tpu.memory_space<vmem>> -> memref<64x128xf32, #tpu.memory_space<vmem>>
    tpu.wait_dma2 semaphore(%dma_wait3A_605 : memref<!tpu.dma_semaphore, #tpu.memory_space<semaphore_mem>>) src(%dma_wait3A_614 : memref<64x128xf32, #tpu.memory_space<vmem>>) dst(%dma_wait3A_607 : memref<64x128xf32, #tpu.memory_space<hbm>>)
    return
  }
}

</mosaic_0001>

<sc_bundles>
// kernel: kernel.3.cloned.1.call-start
scs
__scs_entry_jumppad:
0x0: {  	(pc) =	sbr.rel $0x88, $3  }
0x1: {  	(tag) =	ssettag $0x0;
	lr =	simm.s32 $0x1  }
0x2: {  	[smem:$0x3F9E] =	sst lr;
	_ =	strace $0xD0000000  }
0x3: {  	_ = 	snop  }
0x4: {  	_ = 	snop  }
0x5: {  	_ = 	snop  }
0x6: {  	_ = 	snop  }
0x7: {  	_ = 	snop  }
__scs_overlays_trampoline_lowered:
0x8: {  	[smem:$0x3FAD] =	sst s0  }
0x9: {  	[smem:$0x3FAE] =	sst s1  }
0xa: {  	[smem:$0x3FAF] =	sst s2  }
0xb: {  	[smem:$0x3FB0] =	sst s3  }
0xc: {  	[smem:$0x3FB1] =	sst s4  }
0xd: {  	[smem:$0x3FB2] =	sst s5  }
0xe: {  	[smem:$0x3FB3] =	sst s6  }
0xf: {  	[smem:$0x3FB4] =	sst s7  }
0x10: {  	[smem:$0x3FB5] =	sst s8  }
0x11: {  	[smem:$0x3FB6] =	sst s9;
	s0 =	simm.s32 @!p0 $0x0  }
0x12: {  	s1 =	sld [smem:$0x3F9C];
	s0 =	simm.s32 @p0 $0x1  }
0x13: {  	[smem:$0x3FB7] =	sst s0;
	s0 =	simm.s32 @!p1 $0x0  }
0x14: {  	s2 =	sld [smem:$0x3F9B];
	s0 =	simm.s32 @p1 $0x1  }
0x15: {  	[smem:$0x3FB8] =	sst s0;
	s0 =	simm.s32 @!p2 $0x0  }
0x16: {  	s3 =	sld [smem:$0x3FDB];
	s0 =	simm.s32 @p2 $0x1  }
0x17: {  	s4 =	simm.s32 $0x1BF5;
	[smem:$0x3FBA] =	sst s0  }
0x18: {  	s0 =	sld [smem:$0x3F9D];
	_ =	swait.ge [sflag:s4], $0x0  }
0x19: {  	s7 =	sld [smem:$0x3F9E]  }
0x1a: {  	s8 =	sadd.s32 $0xFFFFE003, lr  }
0x1b: {  	s9 =	sadd.s32 $0xFFFFFEF7, lr;
	s5 =	simm.s32 $0xFFFFFFFF;
	p2 =	slt.u32 s8, $0xFFFFF086  }
0x1c: {  	p1 =	slt.u32 s9, $0xF7A;
	s5 =	simm.s32 @!p2 $0x0  }
0x1d: {  	s5 =	simm.s32 @p1 $0x1;
	p0 =	seq.s32 s7, s2  }
0x1e: {  	s7 =	smul.u32 @!p0 $0xF7A, s2;
	p2 =	seq.s32 @!p0 s5, $0x0  }
0x1f: {  	s9 =	smul.u32 $0xF7A, s1;
	s8 =	simm.s32 @!p0 $0x1BF5;
	p2 =	por !p2, p0  }
0x20: {  	[sflag:s8] =	ssyncset.s32 @!p0 $0xFFFFF086;
	s6 =	sadd.s32 @!p0 s3, s7;
	s7 =	simm.s32 @!p0 $0x108  }
0x21: {  	s3 =	sadd.s32 s3, s9;
	s6 =	sadd.s32 @!p0 $0x88, s6;
	s7 =	simm.s32 @p2 $0x1082  }
0x22: {  	[simem:s7], [sflag:s8] =	dma.local @!p0 [hbm:s6], $0xF7A  }
0x23: {  	s9 =	sor.u32 $0xD0000000, s2;
	s6 =	simm.s32 $0x108;
	_ =	swait.ge @!p0 [sflag:s8], $0x0  }
0x24: {  	s3 =	sadd.s32 $0x88, s3;
	s6 =	simm.s32 @!p1 $0x1082;
	[sflag:s4] =	ssyncset.s32 $0xFFFFF086  }
0x25: {  	[simem:s6], [sflag:s4] =	dma.local [hbm:s3], $0xF7A  }
0x26: {  	[smem:$0x3F9E] =	sst s1;
	(tag) =	ssettag s2;
	_ =	strace s9  }
0x27: {  	s1 =	sld [smem:$0x3FAE]  }
0x28: {  	s2 =	sld [smem:$0x3FAF]  }
0x29: {  	s4 =	sld [smem:$0x3FB1]  }
0x2a: {  	p0 =	seq.s32 s5, $0x0;
	s5 =	sld [smem:$0x3FB2]  }
0x2b: {  	s6 =	sld [smem:$0x3FB3]  }
0x2c: {  	s7 =	sld [smem:$0x3FB4]  }
0x2d: {  	s3 =	simm.s32 $0x108;
	s8 =	sld [smem:$0x3FB5]  }
0x2e: {  	s3 =	simm.s32 @!p0 $0x1082;
	s9 =	sld [smem:$0x3FB6]  }
0x2f: {  	lr =	sadd.s32 s0, s3;
	s0 =	sld [smem:$0x3FAD]  }
0x30: {  	s3 =	sld [smem:$0x3FB0]  }
0x31: {  	[smem:$0x3FB9] =	sst s10  }
0x32: {  	s10 =	sld [smem:$0x3FB7];
	_ =	sdelay $0x3  }
0x33: {  	p0 =	seq.s32 s10, $0x1;
	s10 =	sld [smem:$0x3FB9];
	_ =	sdelay $0x3  }
0x34: {  	[smem:$0x3FB9] =	sst s10  }
0x35: {  	s10 =	sld [smem:$0x3FB8];
	_ =	sdelay $0x3  }
0x36: {  	p1 =	seq.s32 s10, $0x1;
	s10 =	sld [smem:$0x3FB9];
	_ =	sdelay $0x3  }
0x37: {  	[smem:$0x3FB9] =	sst s10  }
0x38: {  	s10 =	sld [smem:$0x3FBA]  }
0x39: {  	_ = 	snop;
	(pc) =	sbr.ind lr, $3  }
0x3a: {  	_ = 	snop  }
0x3b: {  	_ = 	snop  }
0x3c: {  	p2 =	seq.s32 s10, $0x1;
	s10 =	sld [smem:$0x3FB9]  }
0x3d: {  	_ =	shalt  }
0x3e: {  	_ =	shalt  }
0x3f: {  	_ =	shalt  }
0x40: {  	_ =	shalt  }
0x41: {  	_ =	shalt  }
0x42: {  	_ =	shalt  }
0x43: {  	_ =	shalt  }
0x44: {  	_ =	shalt  }
0x45: {  	_ =	shalt  }
0x46: {  	_ =	shalt  }
0x47: {  	_ =	shalt  }
0x48: {  	_ =	shalt  }
0x49: {  	_ =	shalt  }
0x4a: {  	_ =	shalt  }
0x4b: {  	_ =	shalt  }
0x4c: {  	_ =	shalt  }
0x4d: {  	_ =	shalt  }
0x4e: {  	_ =	shalt  }
0x4f: {  	_ =	shalt  }
0x50: {  	_ =	shalt  }
0x51: {  	_ =	shalt  }
0x52: {  	_ =	shalt  }
0x53: {  	_ =	shalt  }
0x54: {  	_ =	shalt  }
0x55: {  	_ =	shalt  }
0x56: {  	_ =	shalt  }
0x57: {  	_ =	shalt  }
0x58: {  	_ =	shalt  }
0x59: {  	_ =	shalt  }
0x5a: {  	_ =	shalt  }
0x5b: {  	_ =	shalt  }
0x5c: {  	_ =	shalt  }
0x5d: {  	_ =	shalt  }
0x5e: {  	_ =	shalt  }
0x5f: {  	_ =	shalt  }
0x60: {  	_ =	shalt  }
0x61: {  	_ =	shalt  }
0x62: {  	_ =	shalt  }
0x63: {  	_ =	shalt  }
0x64: {  	_ =	shalt  }
0x65: {  	_ =	shalt  }
0x66: {  	_ =	shalt  }
0x67: {  	_ =	shalt  }
0x68: {  	_ =	shalt  }
0x69: {  	_ =	shalt  }
0x6a: {  	_ =	shalt  }
0x6b: {  	_ =	shalt  }
0x6c: {  	_ =	shalt  }
0x6d: {  	_ =	shalt  }
0x6e: {  	_ =	shalt  }
0x6f: {  	_ =	shalt  }
0x70: {  	_ =	shalt  }
0x71: {  	_ =	shalt  }
0x72: {  	_ =	shalt  }
0x73: {  	_ =	shalt  }
0x74: {  	_ =	shalt  }
0x75: {  	_ =	shalt  }
0x76: {  	_ =	shalt  }
0x77: {  	_ =	shalt  }
0x78: {  	_ =	shalt  }
0x79: {  	_ =	shalt  }
0x7a: {  	_ =	shalt  }
0x7b: {  	_ =	shalt  }
0x7c: {  	_ =	shalt  }
0x7d: {  	_ =	shalt  }
0x7e: {  	_ =	shalt  }
0x7f: {  	_ =	shalt  }
0x80: {  	_ =	shalt  }
0x81: {  	_ =	shalt  }
0x82: {  	_ =	shalt  }
0x83: {  	_ =	shalt  }
0x84: {  	_ =	shalt  }
0x85: {  	_ =	shalt  }
0x86: {  	_ =	shalt  }
0x87: {  	_ =	shalt  }
.Lfunc_end0:
.L_simem_size_0:
called_computation_lowered:
.L_overlay_start_0:
0x88: {  	s2 =	sld [smem:$0x3FD9]  }
0x89: {  	s3 =	sld [smem:$0x3FFE];
	_ =	sdelay $0x1  }
0x8a: {  	s1 =	srdreg.scid  }
0x8b: {  	s0 =	sand.u32 $0x1, s1  }
0x8c: {  	s15 =	sshll.u32 s0, $0xA;
	s2 =	sadd.s32 s3, s2  }
0x8d: {  	s2 =	sadd.s32 s2, s15  }
0x8e: {  	[smem:$0x3FC5] =	sst s2  }
0x8f: {  	_ = 	snop  }
0x90: {  	s2 =	sld [smem:$0x3FD0]  }
0x91: {  	s16 =	sld [smem:$0x3FC9]  }
0x92: {  	s4 =	sld [smem:$0x3FC8]  }
0x93: {  	s6 =	simm.s32 $0xA;
	s7 =	simm.s32 $0x10;
	s5 =	sld [smem:$0x3FC7]  }
0x94: {  	[smem:s7], [sflag:s6] =	dma.local [hbm:s2], $0x1  }
0x95: {  	_ =	swait.eq [sflag:s6], $0x1  }
0x96: {  	[sflag:s6] =	ssyncset.done $0x0  }
0x97: {  	s17 =	sld [smem:$0x10];
	[sflag:s6] =	ssyncadd.s32 $0xFFFFFFFF  }
0x98: {  	s18 =	sld [smem:$0x11];
	(tm) =	ssettm $0x1  }
0x99: {  	s19 =	sld [smem:$0x3FFB];
	_ =	sdelay $0x3  }
0x9a: {  	_ =	strace s19  }
0x9b: {  	s7 =	sld [smem:$0x3FFC];
	_ =	sdelay $0x3  }
0x9c: {  	_ =	strace s7  }
0x9d: {  	s7 =	sld [smem:$0x3FFD];
	_ =	sdelay $0x3  }
0x9e: {  	_ =	strace s7  }
0x9f: {  	_ =	strace $0x8FFFFFFF  }
0xa0: {  	s20 =	sld [smem:$0x3FDB];
	_ =	sdelay $0x1  }
0xa1: {  	s8 =	simm.s32 $_scs_section_size  }
0xa2: {  	s9 =	simm.s32 $_size__tile_overlayer_lowered;
	s10 =	simm.s32 $_tile_overlayer_lowered  }
0xa3: {  	s23 =	simm.s32 $0x1BFF;
	s22 =	sshll.u32 s10, $0x1;
	s7 =	sadd.s32 s8, s20  }
0xa4: {  	s11 =	simm.s32 $0x0;
	s21 =	sshll.u32 s9, $0x1;
	s9 =	sadd.s32 s22, s7  }
0xa5: {  	[timem:s11], [sflag:s23] =	dma.local [hbm:s9], s21  }
0xa6: {  	_ =	swait.ge [sflag:s23], s21  }
0xa7: {  	s8 =	ssub.s32 $0x0, s21;
	[sflag:s23] =	ssyncset.done $0x0  }
0xa8: {  	[sflag:s23] =	ssyncadd.s32 s8;
	_ =	sdelay $0x1  }
0xa9: {  	s24 =	simm.s32 $0x1B8B  }
0xaa: {  	_ =	swait.ge [sflag:s24], $0x1  }
0xab: {  	[sflag:s24] =	ssyncset.done $0x0  }
0xac: {  	s25 =	simm.s32 $0x1B8E;
	[sflag:s24] =	ssyncadd.s32 $0xFFFFFFFF  }
0xad: {  	s26 =	simm.s32 $execute0_lowered;
	[smem:$0x3FD2] =	sst s25  }
0xae: {  	s8 =	sshll.u32 s26, $0x1;
	_ =	strace $0x80000046;
	[dreg:$0x1] =	wrdreg $0xFFFFFFFF  }
0xaf: {  	s28 =	simm.s32 $_size_execute0_lowered;
	s7 =	sadd.s32 s7, s8;
	[dreg:$0x0] =	wrdreg $0x0  }
0xb0: {  	s8 =	sshll.u32 s28, $0x1;
	[dreg:$0x2] =	wrdreg s7  }
0xb1: {  	[dreg:$0x3] =	wrdreg s8  }
0xb2: {  	[dreg:$0x4] =	wrdreg $0xC0  }
0xb3: {  	_ =	task [dreg:s11], $0x5FFFF  }
0xb4: {  	[dreg:$0x1] =	wrdreg $0xFFFFFFFF  }
0xb5: {  	[dreg:$0x0] =	wrdreg $0x60  }
0xb6: {  	[dreg:$0x2] =	wrdreg s16  }
0xb7: {  	[dreg:$0x3] =	wrdreg s4  }
0xb8: {  	[dreg:$0x4] =	wrdreg s5  }
0xb9: {  	[dreg:$0x5] =	wrdreg s17  }
0xba: {  	[dreg:$0x6] =	wrdreg s18  }
0xbb: {  	[dreg:$0x7] =	wrdreg $0x9  }
0xbc: {  	_ =	task.clear_ibuf [dreg:s11], $0x8FFFF;
	_ =	strace $0x90000046  }
0xbd: {  	s29 =	simm.s32 $0x9;
	_ =	strace $0x80000048  }
0xbe: {  	_ =	swait.ge [sflag:s29], $0x1  }
0xbf: {  	[sflag:s29] =	ssyncadd.s32 $0xFFFFFFFF  }
0xc0: {  	_ =	strace $0x90000048  }
0xc1: {  	_ =	sfence  }
0xc2: {  	s30 =	sld [smem:$0x0];
	_ =	sdelay $0x2  }
0xc3: {  	s31 =	sshll.u32 s1, $0xD;
	s1 =	sshrl.u32 s1, $0x2  }
0xc4: {  	s3 =	sand.u32 $0x4000, s31;
	s1 =	sadd.s32 s1, s30  }
0xc5: {  	s0 =	sor.u32 s3, s0;
	s1 =	sshll.u32 s1, $0x11  }
0xc6: {  	s0 =	sor.u32 s1, s0  }
0xc7: {  	s0 =	sadd.s32 $0x8F2B, s0  }
0xc8: {  	[sflag:s0] =	ssyncadd.remote.s32 $0x1  }
0xc9: {  	_ =	sfence.sel $0xFFFF  }
0xca: {  	[dreg:$0x0] =	wrdreg $0xFFFFFFFF;
	(pc) =	sbr.abs _section_cstart, $3  }
0xcb: {  	[dreg:$0x1] =	wrdreg $0xFFFFFFFF  }
0xcc: {  	_ =	task.clear_ibuf [dreg:s11], $0x2FFFF;
	_ =	strace $0x9FFFFFFF  }
0xcd: {  	(tm) =	ssettm $0x7FFFFFFF  }
tec
execute0_lowered:
.L_overlay_start_1:
0x0: {  	(tag) =	ssettag $0x1  }
0x1: {  	s0 =	rddreg [dreg:$0x0]  }
0x2: {  	s8 =	rddreg [dreg:$0x1]  }
0x3: {  	s3 =	rddreg [dreg:$0x2]  }
0x4: {  	s1 =	srdreg.scid;
	s4 =	rddreg [dreg:$0x3]  }
0x5: {  	s2 =	stileid.u32;
	s5 =	rddreg [dreg:$0x4]  }
0x6: {  	s31 =	simm.s32 $0xF;
	s30 =	simm.s32 $0x80;
	s26 =	simm.s32 $0xC200  }
0x7: {  	s28 =	simm.s32 $0x180;
	s9 =	simm.s32 $0x2;
	s10 =	simm.s32 $0x1C0  }
0x8: {  	s29 =	simm.s32 $0x3;
	s25 =	simm.s32 $0x4;
	s24 =	simm.s32 $0x5  }
0x9: {  	s1 =	sand.u32 $0x1, s1;
	s6 =	sshll.u32 s2, $0xA;
	s2 =	simm.s32 $0x0  }
0xa: {  	p0 =	por $0x0, $0x0;
	s7 =	sshll.u32 s1, $0x9;
	[smem:$0x7FF] =	sst s2  }
0xb: {  	s1 =	ssub.s32 $0x2, s1;
	s6 =	sor.u32 s7, s6;
	_ =	strace $0x80000047  }
0xc: {  	s21 =	sshrl.u32 s1, $0x1;
	[dreg:$0xf] =	wrdreg s10;
	s10 =	simm.s32 $0xE  }
0xd: {  	s7 =	sshrl.u32 s6, $0x3;
	s6 =	sshll.u32 s6, $0x4;
	s1 =	ssub.s32 s1, s21  }
0xe: {  	s21 =	simm.s32 $0x8200;
	s0 =	sadd.s32 s0, s7;
	s11 =	sadd.s32 s4, s6  }
0xf: {  	s12 =	sor.u32 $0x800, s6;
	s15 =	sor.u32 $0x1000, s6;
	s18 =	sor.u32 $0x1800, s6  }
0x10: {  	s6 =	sadd.s32 s5, s6;
	s23 =	smax.u32 s1, $0x1;
	[dreg:$0x6] =	wrdreg s0  }
0x11: {  	s7 =	simm.s32 $0x200;
	s1 =	simm.s32 $0x40;
	[dreg:$0x7] =	wrdreg s11  }
0x12: {  	s13 =	sadd.s32 s4, s12;
	s14 =	sadd.s32 s5, s12;
	s16 =	sadd.s32 s4, s15  }
0x13: {  	s17 =	sadd.s32 s5, s15;
	s19 =	sadd.s32 s4, s18;
	[dreg:$0x10] =	wrdreg s6  }
0x14: {  	s20 =	sadd.s32 s5, s18;
	s22 =	sadd.s32 $0x1C00, s6;
	[dreg:$0x8] =	wrdreg s13  }
0x15: {  	s6 =	simm.s32 $0x4200;
	s18 =	simm.s32 $0x14200;
	[dreg:$0x9] =	wrdreg s14  }
0x16: {  	s11 =	simm.s32 $0x1;
	s5 =	simm.s32 $0x8;
	[dreg:$0xa] =	wrdreg s16  }
0x17: {  	s4 =	simm.s32 $0x9;
	p1 =	sne.s32 s23, $0x1;
	[dreg:$0xb] =	wrdreg s17  }
.Ltmp0:
0x18: {  	s0 =	sadd.s32 $0xFFFFFFFF, s23;
	[dreg:$0xc] =	wrdreg s19;
	(pc) =	sbr.rel @!p1 .LBB2_1-.Ltmp0, $4  }
0x19: {  	s23 =	simm.s32 $0x6;
	s15 =	simm.s32 $0xB;
	[dreg:$0xd] =	wrdreg s20  }
0x1a: {  	s12 =	simm.s32 $0xD;
	[dreg:$0xe] =	wrdreg s22;
	s20 =	simm.s32 $0x100  }
0x1b: {  	s19 =	simm.s32 $0x10200;
	s16 =	simm.s32 $0x18200;
	s22 =	simm.s32 $0x7  }
0x1c: {  	s17 =	simm.s32 $0xA;
	s13 =	simm.s32 $0xC;
	s14 =	rddreg [dreg:$0x6]  }
0x1d: {  	[tilespmem:s2], [sflag:$0xF] =	stream.linear.gather [hbm4b:s14+s2], $0x200, $0x38;
	[tilespmem:$0x1C200] =	vst v63  }
0x1e: {  	_ =	swait.ge [sflag:s31], $0x200  }
0x1f: {  	[sflag:s31] =	ssyncset.done $0x0  }
0x20: {  	[sflag:s31] =	ssyncadd.s32 $0xFFFFFE00  }
0x21: {  	[tilespmem:s7], [sflag:$0x1] =	stream.indirect.gather [hbm4b:s8+s30], $0x80, s2, s30, $0xb8;
	[tilespmem:$0x1C200] =	vst v63  }
0x22: {  	_ = 	snop  }
0x23: {  	[tilespmem:s6], [sflag:$0x2] =	stream.indirect.gather [hbm4b:s3+s30], $0x80, s2, s30, $0xb8;
	[tilespmem:$0x1C200] =	vst v63  }
0x24: {  	_ = 	snop  }
0x25: {  	[tilespmem:s21], [sflag:$0x3] =	stream.indirect.gather [hbm4b:s8+s30], $0x80, s30, s30, $0xb8;
	[tilespmem:$0x1C200] =	vst v63  }
0x26: {  	_ = 	snop  }
0x27: {  	[tilespmem:s26], [sflag:$0x4] =	stream.indirect.gather [hbm4b:s3+s30], $0x80, s30, s30, $0xb8;
	[tilespmem:$0x1C200] =	vst v63  }
0x28: {  	_ = 	snop  }
0x29: {  	[tilespmem:s19], [sflag:$0x5] =	stream.indirect.gather [hbm4b:s8+s30], $0x80, s20, s30, $0xb8;
	[tilespmem:$0x1C200] =	vst v63  }
0x2a: {  	_ = 	snop  }
0x2b: {  	[tilespmem:s18], [sflag:$0x6] =	stream.indirect.gather [hbm4b:s3+s30], $0x80, s20, s30, $0xb8;
	[tilespmem:$0x1C200] =	vst v63  }
0x2c: {  	_ = 	snop  }
0x2d: {  	[tilespmem:s16], [sflag:$0x7] =	stream.indirect.gather [hbm4b:s8+s30], $0x80, s28, s30, $0xb8;
	[tilespmem:$0x1C200] =	vst v63  }
0x2e: {  	_ =	swait.ge [sflag:s11], $0x4000  }
0x2f: {  	[sflag:s11] =	ssyncset.done $0x0  }
0x30: {  	s14 =	rddreg [dreg:$0x7];
	[sflag:s11] =	ssyncadd.s32 $0xFFFFC000  }
0x31: {  	[hbm4b:s14+s2] =	stream.linear.scatter [tilespmem:s7], [sflag:$0x8], $0x4000, $0x38;
	[tilespmem:$0x1C200] =	vst v63  }
0x32: {  	_ =	swait.ge [sflag:s9], $0x4000  }
0x33: {  	[sflag:s9] =	ssyncset.done $0x0  }
0x34: {  	s14 =	rddreg [dreg:$0x10];
	[sflag:s9] =	ssyncadd.s32 $0xFFFFC000  }
0x35: {  	[hbm4b:s14+s2] =	stream.linear.scatter [tilespmem:s6], [sflag:$0x9], $0x4000, $0x38;
	[tilespmem:$0x1C200] =	vst v63  }
0x36: {  	_ =	swait.ge [sflag:s5], $0x4000  }
0x37: {  	[sflag:s5] =	ssyncset.done $0x0  }
0x38: {  	[sflag:s5] =	ssyncadd.s32 $0xFFFFC000  }
0x39: {  	[tilespmem:s7], [sflag:$0x1] =	stream.indirect.gather [hbm4b:s3+s1], $0x80, s28, s1, $0xb8;
	[tilespmem:$0x1C200] =	vst v63  }
0x3a: {  	_ =	swait.ge [sflag:s4], $0x4000  }
0x3b: {  	[sflag:s4] =	ssyncset.done $0x0  }
0x3c: {  	s14 =	rddreg [dreg:$0xf];
	[sflag:s4] =	ssyncadd.s32 $0xFFFFC000  }
0x3d: {  	[tilespmem:s6], [sflag:$0x2] =	stream.indirect.gather [hbm4b:s3+s1], $0x80, s14, s1, $0xb8;
	[tilespmem:$0x1C200] =	vst v63  }
0x3e: {  	_ =	swait.ge [sflag:s29], $0x4000  }
0x3f: {  	[sflag:s29] =	ssyncset.done $0x0  }
0x40: {  	s14 =	rddreg [dreg:$0x8];
	[sflag:s29] =	ssyncadd.s32 $0xFFFFC000  }
0x41: {  	[hbm4b:s14+s2] =	stream.linear.scatter [tilespmem:s21], [sflag:$0xA], $0x4000, $0x38;
	[tilespmem:$0x1C200] =	vst v63  }
0x42: {  	_ =	swait.ge [sflag:s25], $0x4000  }
0x43: {  	[sflag:s25] =	ssyncset.done $0x0  }
0x44: {  	s14 =	rddreg [dreg:$0x9];
	[sflag:s25] =	ssyncadd.s32 $0xFFFFC000  }
0x45: {  	[hbm4b:s14+s2] =	stream.linear.scatter [tilespmem:s26], [sflag:$0xB], $0x4000, $0x38;
	[tilespmem:$0x1C200] =	vst v63  }
0x46: {  	_ =	swait.ge [sflag:s24], $0x4000  }
0x47: {  	[sflag:s24] =	ssyncset.done $0x0  }
0x48: {  	s14 =	rddreg [dreg:$0xa];
	[sflag:s24] =	ssyncadd.s32 $0xFFFFC000  }
0x49: {  	[hbm4b:s14+s2] =	stream.linear.scatter [tilespmem:s19], [sflag:$0xC], $0x4000, $0x38;
	[tilespmem:$0x1C200] =	vst v63  }
0x4a: {  	_ =	swait.ge [sflag:s23], $0x4000  }
0x4b: {  	[sflag:s23] =	ssyncset.done $0x0  }
0x4c: {  	s14 =	rddreg [dreg:$0xb];
	[sflag:s23] =	ssyncadd.s32 $0xFFFFC000  }
0x4d: {  	[hbm4b:s14+s2] =	stream.linear.scatter [tilespmem:s18], [sflag:$0xD], $0x4000, $0x38;
	[tilespmem:$0x1C200] =	vst v63  }
0x4e: {  	_ =	swait.ge [sflag:s22], $0x4000  }
0x4f: {  	[sflag:s22] =	ssyncset.done $0x0  }
0x50: {  	s14 =	rddreg [dreg:$0xc];
	[sflag:s22] =	ssyncadd.s32 $0xFFFFC000  }
0x51: {  	[hbm4b:s14+s2] =	stream.linear.scatter [tilespmem:s16], [sflag:$0xE], $0x4000, $0x38;
	[tilespmem:$0x1C200] =	vst v63  }
0x52: {  	_ =	swait.ge [sflag:s11], $0x2000  }
0x53: {  	[sflag:s11] =	ssyncset.done $0x0  }
0x54: {  	s14 =	rddreg [dreg:$0xd];
	[sflag:s11] =	ssyncadd.s32 $0xFFFFE000  }
0x55: {  	[hbm4b:s14+s2] =	stream.linear.scatter [tilespmem:s7], [sflag:$0x8], $0x2000, $0x38;
	[tilespmem:$0x1C200] =	vst v63  }
0x56: {  	_ =	swait.ge [sflag:s9], $0x2000  }
0x57: {  	[sflag:s9] =	ssyncset.done $0x0  }
0x58: {  	s14 =	rddreg [dreg:$0xe];
	[sflag:s9] =	ssyncadd.s32 $0xFFFFE000  }
0x59: {  	[hbm4b:s14+s2] =	stream.linear.scatter [tilespmem:s6], [sflag:$0x9], $0x2000, $0x38;
	[tilespmem:$0x1C200] =	vst v63  }
0x5a: {  	_ =	swait.ge [sflag:s17], $0x4000  }
0x5b: {  	[sflag:s17] =	ssyncset.done $0x0  }
0x5c: {  	[sflag:s17] =	ssyncadd.s32 $0xFFFFC000  }
0x5d: {  	_ =	swait.ge [sflag:s15], $0x4000  }
0x5e: {  	[sflag:s15] =	ssyncset.done $0x0  }
0x5f: {  	[sflag:s15] =	ssyncadd.s32 $0xFFFFC000  }
0x60: {  	_ =	swait.ge [sflag:s13], $0x4000  }
0x61: {  	[sflag:s13] =	ssyncset.done $0x0  }
0x62: {  	[sflag:s13] =	ssyncadd.s32 $0xFFFFC000  }
0x63: {  	_ =	swait.ge [sflag:s12], $0x4000  }
0x64: {  	[sflag:s12] =	ssyncset.done $0x0  }
0x65: {  	[sflag:s12] =	ssyncadd.s32 $0xFFFFC000  }
0x66: {  	_ =	swait.ge [sflag:s10], $0x4000  }
0x67: {  	[sflag:s10] =	ssyncset.done $0x0  }
0x68: {  	p1 =	sne.s32 s0, $0x1;
	[sflag:s10] =	ssyncadd.s32 $0xFFFFC000  }
.Ltmp1:
0x69: {  	_ =	swait.ge [sflag:s5], $0x2000;
	(pc) =	sbr.rel @!p1 .LBB2_3-.Ltmp1, $4  }
0x6a: {  	[sflag:s5] =	ssyncset.done $0x0  }
0x6b: {  	[sflag:s5] =	ssyncadd.s32 $0xFFFFE000  }
0x6c: {  	s0 =	sadd.s32 $0xFFFFFFFF, s0;
	_ =	swait.ge [sflag:s4], $0x2000  }
0x6d: {  	p0 =	por $0x1, $0x1;
	s14 =	rddreg [dreg:$0x6];
	[sflag:s4] =	ssyncset.done $0x0  }
.LBB2_4:
0x6e: {  	[sflag:s4] =	ssyncadd.s32 $0xFFFFE000  }
0x6f: {  	[tilespmem:s2], [sflag:$0xF] =	stream.linear.gather [hbm4b:s14+s2], $0x200, $0x38;
	[tilespmem:$0x1C200] =	vst v63  }
0x70: {  	_ =	swait.ge [sflag:s31], $0x200  }
0x71: {  	[sflag:s31] =	ssyncset.done $0x0  }
0x72: {  	[sflag:s31] =	ssyncadd.s32 $0xFFFFFE00  }
0x73: {  	[tilespmem:s7], [sflag:$0x1] =	stream.indirect.gather [hbm4b:s8+s30], $0x80, s2, s30, $0xb8;
	[tilespmem:$0x1C200] =	vst v63  }
0x74: {  	_ = 	snop  }
0x75: {  	[tilespmem:s6], [sflag:$0x2] =	stream.indirect.gather [hbm4b:s3+s30], $0x80, s2, s30, $0xb8;
	[tilespmem:$0x1C200] =	vst v63  }
0x76: {  	_ = 	snop  }
0x77: {  	[tilespmem:s21], [sflag:$0x3] =	stream.indirect.gather [hbm4b:s8+s30], $0x80, s30, s30, $0xb8;
	[tilespmem:$0x1C200] =	vst v63  }
0x78: {  	_ = 	snop  }
0x79: {  	[tilespmem:s26], [sflag:$0x4] =	stream.indirect.gather [hbm4b:s3+s30], $0x80, s30, s30, $0xb8;
	[tilespmem:$0x1C200] =	vst v63  }
0x7a: {  	_ = 	snop  }
0x7b: {  	[tilespmem:s19], [sflag:$0x5] =	stream.indirect.gather [hbm4b:s8+s30], $0x80, s20, s30, $0xb8;
	[tilespmem:$0x1C200] =	vst v63  }
0x7c: {  	_ = 	snop  }
0x7d: {  	[tilespmem:s18], [sflag:$0x6] =	stream.indirect.gather [hbm4b:s3+s30], $0x80, s20, s30, $0xb8;
	[tilespmem:$0x1C200] =	vst v63  }
0x7e: {  	_ = 	snop  }
0x7f: {  	[tilespmem:s16], [sflag:$0x7] =	stream.indirect.gather [hbm4b:s8+s30], $0x80, s28, s30, $0xb8;
	[tilespmem:$0x1C200] =	vst v63  }
0x80: {  	_ =	swait.ge [sflag:s11], $0x4000  }
0x81: {  	[sflag:s11] =	ssyncset.done $0x0  }
0x82: {  	s14 =	rddreg [dreg:$0x7];
	[sflag:s11] =	ssyncadd.s32 $0xFFFFC000  }
0x83: {  	[hbm4b:s14+s2] =	stream.linear.scatter [tilespmem:s7], [sflag:$0x8], $0x4000, $0x38;
	[tilespmem:$0x1C200] =	vst v63  }
0x84: {  	_ =	swait.ge [sflag:s9], $0x4000  }
0x85: {  	[sflag:s9] =	ssyncset.done $0x0  }
0x86: {  	s14 =	rddreg [dreg:$0x10];
	[sflag:s9] =	ssyncadd.s32 $0xFFFFC000  }
0x87: {  	[hbm4b:s14+s2] =	stream.linear.scatter [tilespmem:s6], [sflag:$0x9], $0x4000, $0x38;
	[tilespmem:$0x1C200] =	vst v63  }
0x88: {  	_ =	swait.ge [sflag:s5], $0x4000  }
0x89: {  	[sflag:s5] =	ssyncset.done $0x0  }
0x8a: {  	[sflag:s5] =	ssyncadd.s32 $0xFFFFC000  }
0x8b: {  	[tilespmem:s7], [sflag:$0x1] =	stream.indirect.gather [hbm4b:s3+s1], $0x80, s28, s1, $0xb8;
	[tilespmem:$0x1C200] =	vst v63  }
0x8c: {  	_ =	swait.ge [sflag:s4], $0x4000  }
0x8d: {  	[sflag:s4] =	ssyncset.done $0x0  }
0x8e: {  	s14 =	rddreg [dreg:$0xf];
	[sflag:s4] =	ssyncadd.s32 $0xFFFFC000  }
0x8f: {  	[tilespmem:s6], [sflag:$0x2] =	stream.indirect.gather [hbm4b:s3+s1], $0x80, s14, s1, $0xb8;
	[tilespmem:$0x1C200] =	vst v63  }
0x90: {  	_ =	swait.ge [sflag:s29], $0x4000  }
0x91: {  	[sflag:s29] =	ssyncset.done $0x0  }
0x92: {  	s14 =	rddreg [dreg:$0x8];
	[sflag:s29] =	ssyncadd.s32 $0xFFFFC000  }
0x93: {  	[hbm4b:s14+s2] =	stream.linear.scatter [tilespmem:s21], [sflag:$0xA], $0x4000, $0x38;
	[tilespmem:$0x1C200] =	vst v63  }
0x94: {  	_ =	swait.ge [sflag:s25], $0x4000  }
0x95: {  	[sflag:s25] =	ssyncset.done $0x0  }
0x96: {  	s14 =	rddreg [dreg:$0x9];
	[sflag:s25] =	ssyncadd.s32 $0xFFFFC000  }
0x97: {  	[hbm4b:s14+s2] =	stream.linear.scatter [tilespmem:s26], [sflag:$0xB], $0x4000, $0x38;
	[tilespmem:$0x1C200] =	vst v63  }
0x98: {  	_ =	swait.ge [sflag:s24], $0x4000  }
0x99: {  	[sflag:s24] =	ssyncset.done $0x0  }
0x9a: {  	s14 =	rddreg [dreg:$0xa];
	[sflag:s24] =	ssyncadd.s32 $0xFFFFC000  }
0x9b: {  	[hbm4b:s14+s2] =	stream.linear.scatter [tilespmem:s19], [sflag:$0xC], $0x4000, $0x38;
	[tilespmem:$0x1C200] =	vst v63  }
0x9c: {  	_ =	swait.ge [sflag:s23], $0x4000  }
0x9d: {  	[sflag:s23] =	ssyncset.done $0x0  }
0x9e: {  	s14 =	rddreg [dreg:$0xb];
	[sflag:s23] =	ssyncadd.s32 $0xFFFFC000  }
0x9f: {  	[hbm4b:s14+s2] =	stream.linear.scatter [tilespmem:s18], [sflag:$0xD], $0x4000, $0x38;
	[tilespmem:$0x1C200] =	vst v63  }
0xa0: {  	_ =	swait.ge [sflag:s22], $0x4000  }
0xa1: {  	[sflag:s22] =	ssyncset.done $0x0  }
0xa2: {  	s14 =	rddreg [dreg:$0xc];
	[sflag:s22] =	ssyncadd.s32 $0xFFFFC000  }
0xa3: {  	[hbm4b:s14+s2] =	stream.linear.scatter [tilespmem:s16], [sflag:$0xE], $0x4000, $0x38;
	[tilespmem:$0x1C200] =	vst v63  }
0xa4: {  	_ =	swait.ge [sflag:s11], $0x2000  }
0xa5: {  	[sflag:s11] =	ssyncset.done $0x0  }
0xa6: {  	s14 =	rddreg [dreg:$0xd];
	[sflag:s11] =	ssyncadd.s32 $0xFFFFE000  }
0xa7: {  	[hbm4b:s14+s2] =	stream.linear.scatter [tilespmem:s7], [sflag:$0x8], $0x2000, $0x38;
	[tilespmem:$0x1C200] =	vst v63  }
0xa8: {  	_ =	swait.ge [sflag:s9], $0x2000  }
0xa9: {  	[sflag:s9] =	ssyncset.done $0x0  }
0xaa: {  	s14 =	rddreg [dreg:$0xe];
	[sflag:s9] =	ssyncadd.s32 $0xFFFFE000  }
0xab: {  	[hbm4b:s14+s2] =	stream.linear.scatter [tilespmem:s6], [sflag:$0x9], $0x2000, $0x38;
	[tilespmem:$0x1C200] =	vst v63  }
0xac: {  	_ =	swait.ge [sflag:s17], $0x4000  }
0xad: {  	[sflag:s17] =	ssyncset.done $0x0  }
0xae: {  	[sflag:s17] =	ssyncadd.s32 $0xFFFFC000  }
0xaf: {  	_ =	swait.ge [sflag:s15], $0x4000  }
0xb0: {  	[sflag:s15] =	ssyncset.done $0x0  }
0xb1: {  	[sflag:s15] =	ssyncadd.s32 $0xFFFFC000  }
0xb2: {  	_ =	swait.ge [sflag:s13], $0x4000  }
0xb3: {  	[sflag:s13] =	ssyncset.done $0x0  }
0xb4: {  	[sflag:s13] =	ssyncadd.s32 $0xFFFFC000  }
0xb5: {  	_ =	swait.ge [sflag:s12], $0x4000  }
0xb6: {  	[sflag:s12] =	ssyncset.done $0x0  }
0xb7: {  	[sflag:s12] =	ssyncadd.s32 $0xFFFFC000  }
0xb8: {  	_ =	swait.ge [sflag:s10], $0x4000  }
0xb9: {  	[sflag:s10] =	ssyncset.done $0x0  }
0xba: {  	p1 =	sne.s32 s0, $0x1;
	[sflag:s10] =	ssyncadd.s32 $0xFFFFC000  }
.Ltmp2:
0xbb: {  	_ =	swait.ge [sflag:s5], $0x2000;
	(pc) =	sbr.rel @p1 .LBB2_4-.Ltmp2, $4  }
0xbc: {  	[sflag:s5] =	ssyncset.done $0x0  }
0xbd: {  	[sflag:s5] =	ssyncadd.s32 $0xFFFFE000  }
0xbe: {  	_ =	swait.ge [sflag:s4], $0x2000  }
0xbf: {  	s0 =	sadd.s32 $0xFFFFFFFF, s0;
	s14 =	rddreg [dreg:$0x6];
	[sflag:s4] =	ssyncset.done $0x0  }
0xc0: {  	s26 =	rddreg [dreg:$0x10]  }
.LBB2_6:
0xc1: {  	[sflag:s4] =	ssyncadd.s32 @p0 $0xFFFFE000  }
0xc2: {  	[tilespmem:s2], [sflag:$0xF] =	stream.linear.gather [hbm4b:s14+s2], $0x200, $0x38;
	[tilespmem:$0x1C200] =	vst v63  }
0xc3: {  	_ =	swait.ge [sflag:s31], $0x200  }
0xc4: {  	[sflag:s31] =	ssyncset.done $0x0  }
0xc5: {  	[sflag:s31] =	ssyncadd.s32 $0xFFFFFE00  }
0xc6: {  	[tilespmem:s7], [sflag:$0x1] =	stream.indirect.gather [hbm4b:s8+s30], $0x80, s2, s30, $0xb8;
	[tilespmem:$0x1C200] =	vst v63  }
0xc7: {  	_ = 	snop  }
0xc8: {  	[tilespmem:s6], [sflag:$0x2] =	stream.indirect.gather [hbm4b:s3+s30], $0x80, s2, s30, $0xb8;
	[tilespmem:$0x1C200] =	vst v63  }
0xc9: {  	s19 =	simm.s32 $0x8200  }
0xca: {  	[tilespmem:s19], [sflag:$0x3] =	stream.indirect.gather [hbm4b:s8+s30], $0x80, s30, s30, $0xb8;
	[tilespmem:$0x1C200] =	vst v63  }
0xcb: {  	s18 =	simm.s32 $0xC200  }
0xcc: {  	[tilespmem:s18], [sflag:$0x4] =	stream.indirect.gather [hbm4b:s3+s30], $0x80, s30, s30, $0xb8;
	[tilespmem:$0x1C200] =	vst v63  }
0xcd: {  	s16 =	simm.s32 $0x10200;
	s0 =	simm.s32 $0x100  }
0xce: {  	[tilespmem:s16], [sflag:$0x5] =	stream.indirect.gather [hbm4b:s8+s30], $0x80, s0, s30, $0xb8;
	[tilespmem:$0x1C200] =	vst v63  }
0xcf: {  	s14 =	simm.s32 $0x14200  }
0xd0: {  	[tilespmem:s14], [sflag:$0x6] =	stream.indirect.gather [hbm4b:s3+s30], $0x80, s0, s30, $0xb8;
	[tilespmem:$0x1C200] =	vst v63  }
0xd1: {  	s1 =	simm.s32 $0x18200;
	s20 =	simm.s32 $0x180  }
0xd2: {  	[tilespmem:s1], [sflag:$0x7] =	stream.indirect.gather [hbm4b:s8+s30], $0x80, s20, s30, $0xb8;
	[tilespmem:$0x1C200] =	vst v63  }
0xd3: {  	_ =	swait.ge [sflag:s11], $0x4000  }
0xd4: {  	[sflag:s11] =	ssyncset.done $0x0  }
0xd5: {  	s28 =	rddreg [dreg:$0x7];
	[sflag:s11] =	ssyncadd.s32 $0xFFFFC000  }
0xd6: {  	[hbm4b:s28+s2] =	stream.linear.scatter [tilespmem:s7], [sflag:$0x8], $0x4000, $0x38;
	[tilespmem:$0x1C200] =	vst v63  }
0xd7: {  	_ =	swait.ge [sflag:s9], $0x4000  }
0xd8: {  	[sflag:s9] =	ssyncset.done $0x0  }
0xd9: {  	[sflag:s9] =	ssyncadd.s32 $0xFFFFC000  }
0xda: {  	[hbm4b:s26+s2] =	stream.linear.scatter [tilespmem:s6], [sflag:$0x9], $0x4000, $0x38;
	[tilespmem:$0x1C200] =	vst v63  }
0xdb: {  	_ =	swait.ge [sflag:s5], $0x4000  }
0xdc: {  	[sflag:s5] =	ssyncset.done $0x0  }
0xdd: {  	s30 =	simm.s32 $0x40;
	[sflag:s5] =	ssyncadd.s32 $0xFFFFC000  }
0xde: {  	[tilespmem:s7], [sflag:$0x1] =	stream.indirect.gather [hbm4b:s3+s30], $0x80, s20, s30, $0xb8;
	[tilespmem:$0x1C200] =	vst v63  }
0xdf: {  	_ =	swait.ge [sflag:s4], $0x4000  }
0xe0: {  	[sflag:s4] =	ssyncset.done $0x0  }
0xe1: {  	s31 =	rddreg [dreg:$0xf];
	[sflag:s4] =	ssyncadd.s32 $0xFFFFC000  }
0xe2: {  	[tilespmem:s6], [sflag:$0x2] =	stream.indirect.gather [hbm4b:s3+s30], $0x80, s31, s30, $0xb8;
	[tilespmem:$0x1C200] =	vst v63  }
0xe3: {  	_ =	swait.ge [sflag:s29], $0x4000  }
0xe4: {  	[sflag:s29] =	ssyncset.done $0x0  }
0xe5: {  	s20 =	rddreg [dreg:$0x8];
	[sflag:s29] =	ssyncadd.s32 $0xFFFFC000  }
0xe6: {  	[hbm4b:s20+s2] =	stream.linear.scatter [tilespmem:s19], [sflag:$0xA], $0x4000, $0x38;
	[tilespmem:$0x1C200] =	vst v63  }
0xe7: {  	_ =	swait.ge [sflag:s25], $0x4000  }
0xe8: {  	[sflag:s25] =	ssyncset.done $0x0  }
0xe9: {  	s21 =	rddreg [dreg:$0x9];
	[sflag:s25] =	ssyncadd.s32 $0xFFFFC000  }
0xea: {  	[hbm4b:s21+s2] =	stream.linear.scatter [tilespmem:s18], [sflag:$0xB], $0x4000, $0x38;
	[tilespmem:$0x1C200] =	vst v63  }
0xeb: {  	_ =	swait.ge [sflag:s24], $0x4000  }
0xec: {  	[sflag:s24] =	ssyncset.done $0x0  }
0xed: {  	s25 =	rddreg [dreg:$0xa];
	[sflag:s24] =	ssyncadd.s32 $0xFFFFC000  }
0xee: {  	[hbm4b:s25+s2] =	stream.linear.scatter [tilespmem:s16], [sflag:$0xC], $0x4000, $0x38;
	[tilespmem:$0x1C200] =	vst v63  }
0xef: {  	_ =	swait.ge [sflag:s23], $0x4000  }
0xf0: {  	[sflag:s23] =	ssyncset.done $0x0  }
0xf1: {  	s26 =	rddreg [dreg:$0xb];
	[sflag:s23] =	ssyncadd.s32 $0xFFFFC000  }
0xf2: {  	[hbm4b:s26+s2] =	stream.linear.scatter [tilespmem:s14], [sflag:$0xD], $0x4000, $0x38;
	[tilespmem:$0x1C200] =	vst v63  }
0xf3: {  	_ =	swait.ge [sflag:s22], $0x4000  }
0xf4: {  	[sflag:s22] =	ssyncset.done $0x0  }
0xf5: {  	s28 =	rddreg [dreg:$0xc];
	[sflag:s22] =	ssyncadd.s32 $0xFFFFC000  }
0xf6: {  	[hbm4b:s28+s2] =	stream.linear.scatter [tilespmem:s1], [sflag:$0xE], $0x4000, $0x38;
	[tilespmem:$0x1C200] =	vst v63  }
0xf7: {  	_ =	swait.ge [sflag:s11], $0x2000  }
0xf8: {  	[sflag:s11] =	ssyncset.done $0x0  }
0xf9: {  	s29 =	rddreg [dreg:$0xd];
	[sflag:s11] =	ssyncadd.s32 $0xFFFFE000  }
0xfa: {  	[hbm4b:s29+s2] =	stream.linear.scatter [tilespmem:s7], [sflag:$0x8], $0x2000, $0x38;
	[tilespmem:$0x1C200] =	vst v63  }
0xfb: {  	_ =	swait.ge [sflag:s9], $0x2000  }
0xfc: {  	[sflag:s9] =	ssyncset.done $0x0  }
0xfd: {  	s30 =	rddreg [dreg:$0xe];
	[sflag:s9] =	ssyncadd.s32 $0xFFFFE000  }
0xfe: {  	[hbm4b:s30+s2] =	stream.linear.scatter [tilespmem:s6], [sflag:$0x9], $0x2000, $0x38;
	[tilespmem:$0x1C200] =	vst v63  }
0xff: {  	_ =	swait.ge [sflag:s17], $0x4000  }
0x100: {  	[sflag:s17] =	ssyncset.done $0x0  }
0x101: {  	[sflag:s17] =	ssyncadd.s32 $0xFFFFC000  }
0x102: {  	_ =	swait.ge [sflag:s15], $0x4000  }
0x103: {  	[sflag:s15] =	ssyncset.done $0x0  }
0x104: {  	[sflag:s15] =	ssyncadd.s32 $0xFFFFC000  }
0x105: {  	_ =	swait.ge [sflag:s13], $0x4000  }
0x106: {  	[sflag:s13] =	ssyncset.done $0x0  }
0x107: {  	[sflag:s13] =	ssyncadd.s32 $0xFFFFC000  }
0x108: {  	_ =	swait.ge [sflag:s12], $0x4000  }
0x109: {  	[sflag:s12] =	ssyncset.done $0x0  }
0x10a: {  	[sflag:s12] =	ssyncadd.s32 $0xFFFFC000  }
0x10b: {  	_ =	swait.ge [sflag:s10], $0x4000  }
0x10c: {  	[sflag:s10] =	ssyncset.done $0x0  }
0x10d: {  	[sflag:s10] =	ssyncadd.s32 $0xFFFFC000  }
0x10e: {  	_ =	swait.ge [sflag:s5], $0x2000  }
0x10f: {  	[sflag:s5] =	ssyncset.done $0x0  }
0x110: {  	[sflag:s5] =	ssyncadd.s32 $0xFFFFE000  }
0x111: {  	_ =	swait.ge [sflag:s4], $0x2000  }
0x112: {  	[sflag:s4] =	ssyncset.done $0x0  }
0x113: {  	[sflag:s4] =	ssyncadd.s32 $0xFFFFE000  }
0x114: {  	_ =	sfence.sel $0x180000  }
0x115: {  	[bflag:$0x0] =	sbarrier.arrive $0xFFFF  }
0x116: {  	_ =	strace $0x90000047  }
0x117: {  	s31 =	stileid.u32;
	[bflag:$0x2] =	sbarrier.arrive $0xFFFF  }
0x118: {  	p0 =	sne.s32 s31, $0x0;
	s0 =	rddreg [dreg:$0x5]  }
0x119: {  	s0 =	sadd.s32 @!p0 $0x100000, s0  }
0x11a: {  	[sflag:s0] =	ssyncadd.tile.s32 @!p0 $0x1;
	_ =	shalt  }
.LBB2_1:
.Ltmp3:
0x11b: {  	(pc) =	sbr.rel .LBB2_6-.Ltmp3, $2  }
0x11c: {  	_ =	sdelay $0x2  }
0x11d: {  	s26 =	rddreg [dreg:$0x10]  }
.LBB2_3:
.Ltmp4:
0x11e: {  	(pc) =	sbr.rel .LBB2_6-.Ltmp4, $2  }
0x11f: {  	_ =	sdelay $0x2  }
0x120: {  	s26 =	rddreg [dreg:$0x10]  }
.Lfunc_end2:
_tile_overlayer_lowered:
.L_overlay_start_2:
0x121: {  	(tag) =	ssettag $0x2  }
0x122: {  	s0 =	rddreg [dreg:$0x0];
	s2 =	stileid.u32  }
0x123: {  	s1 =	rddreg [dreg:$0x1];
	p0 =	sne.s32 s2, $0x0  }
0x124: {  	s3 =	rddreg [dreg:$0x2];
	[bflag:$0x3] =	sbarrier.arrive $0xFFFF;
	s2 =	simm.s32 @!p0 $0x1C0F  }
0x125: {  	[timem:s3], [sflag:s2] =	dma.local @!p0 [hbm:s0], s1  }
0x126: {  	s0 =	simm.s32 @!p0 $0xF  }
0x127: {  	_ =	swait.ge @!p0 [sflag:s0], s1  }
0x128: {  	s1 =	ssub.s32 @!p0 $0x0, s1;
	[sflag:s0] =	ssyncset.done @!p0 $0x0  }
0x129: {  	[sflag:s0] =	ssyncadd.s32 @!p0 s1  }
0x12a: {  	[bflag:$0x3] =	sbarrier.arrive $0xFFFF  }
0x12b: {  	_ =	shalt  }

</sc_bundles>
